<compile_context>
chip_gen: v7x
topology: tpu7x:2x2x1
jax: 0.10.2.dev20260603
libtpu: 0.0.44.dev20260713+nightly
codegen_flags: <defaults>
</compile_context>

<pallas_src>
import functools

import jax
import jax.numpy as jnp
from jax import lax
from jax.experimental import pallas as pl
from jax.experimental.pallas import tpu as pltpu
from jax.experimental.pallas import tpu_sc as plsc

N = 10000
E = 320000
F_IN = 128
H = 64
B = 64
C = 10

NC = 2
NS = 16
NW = NC * NS
EPW = E // NW
CHUNK = 80
NCH = EPW // CHUNK
N_PAD = 10240
RPT = N_PAD // NS

ROW_BLK = 2000
NBLK = N // ROW_BLK


def _elu(v):
    return jnp.where(v > 0, v, jnp.exp(v) - 1.0)



_sc_mesh = plsc.VectorSubcoreMesh(core_axis_name="c", subcore_axis_name="s")


@functools.partial(
    pl.kernel,
    out_type=jax.ShapeDtypeStruct((NC, N_PAD, H), jnp.float32),
    mesh=_sc_mesh,
    scratch_types=[
        pltpu.VMEM((NCH, CHUNK), jnp.int32),
        pltpu.VMEM((NCH, CHUNK), jnp.int32),
        pltpu.VMEM((CHUNK, H), jnp.float32),
        pltpu.SemaphoreType.DMA,
        pltpu.VMEM_SHARED((N_PAD, H), jnp.float32),
    ],
    compiler_params=pltpu.CompilerParams(use_tc_tiling_on_sc=False),
)
def _seg_sum(table, src3, dst3, zeros, out, src_v, dst_v, rows_v, gsem, acc):
    c = lax.axis_index("c")
    s = lax.axis_index("s")
    wid = s * NC + c
    pltpu.sync_copy(src3.at[wid], src_v)
    pltpu.sync_copy(dst3.at[wid], dst_v)
    pltpu.sync_copy(zeros.at[pl.ds(s * RPT, RPT)], acc.at[pl.ds(s * RPT, RPT)])
    plsc.subcore_barrier()

    def chunk(j, carry):
        pltpu.async_copy(table.at[src_v.at[j]], rows_v, gsem).wait()
        pltpu.sync_copy(rows_v, acc.at[dst_v.at[j]], add=True)
        return carry

    lax.fori_loop(0, NCH, chunk, 0)
    plsc.subcore_barrier()
    pltpu.sync_copy(acc.at[pl.ds(s * RPT, RPT)], out.at[c, pl.ds(s * RPT, RPT)])



def _mm_body(x_ref, w_ref, o_ref):
    o_ref[...] = jnp.dot(x_ref[...], w_ref[...],
                         preferred_element_type=jnp.float32)


def _conv1_body(y_ref, s_ref, gs_ref, beta_ref, b1_ref, w2_ref, b2_ref, o_ref):
    h1 = y_ref[...] + s_ref[0] + s_ref[1] + b1_ref[...]
    hb = gs_ref[...] * h1 + beta_ref[...]
    ha = _elu(hb)
    o_ref[...] = _elu(jnp.dot(ha, w2_ref[...],
                              preferred_element_type=jnp.float32) + b2_ref[...])


def _conv2_pool_body(h_ref, s_ref, batch_ref, w3_ref, b3_ref, w4_ref, b4_ref,
                     wm1_ref, bm1_ref, wm2_ref, bm2_ref, wm3_ref, bm3_ref,
                     o_ref, g_acc):
    i = pl.program_id(0)
    h2 = h_ref[...] + s_ref[0] + s_ref[1]
    h2 = _elu(jnp.dot(h2, w3_ref[...],
                      preferred_element_type=jnp.float32) + b3_ref[...])
    h2 = _elu(jnp.dot(h2, w4_ref[...],
                      preferred_element_type=jnp.float32) + b4_ref[...])
    bb = batch_ref[0, 0, :]
    mask_t = (lax.broadcasted_iota(jnp.int32, (B, ROW_BLK), 0)
              == bb[None, :]).astype(jnp.float32)
    part = jnp.dot(mask_t, h2, preferred_element_type=jnp.float32)

    @pl.when(i == 0)
    def _():
        g_acc[...] = part

    @pl.when(i > 0)
    def _():
        g_acc[...] += part

    @pl.when(i == pl.num_programs(0) - 1)
    def _():
        g = g_acc[...]
        o1 = _elu(jnp.dot(g, wm1_ref[...],
                          preferred_element_type=jnp.float32) + bm1_ref[...])
        o2 = _elu(jnp.dot(o1, wm2_ref[...],
                          preferred_element_type=jnp.float32) + bm2_ref[...])
        o = jnp.dot(o2, wm3_ref[...],
                    preferred_element_type=jnp.float32) + bm3_ref[...]
        m = jnp.max(o, axis=-1, keepdims=True)
        z = o - m
        o_ref[...] = z - jnp.log(jnp.sum(jnp.exp(z), axis=-1, keepdims=True))


def _full(shape):
    return pl.BlockSpec(shape, lambda i: tuple(0 for _ in shape))


def kernel(x, edge_index, batch, W1, b1, gamma, beta, W2, b2, W3, b3, W4, b4,
           Wm1, bm1, Wm2, bm2, Wm3, bm3):
    src3 = edge_index[0].astype(jnp.int32).reshape(NW, NCH, CHUNK)
    dst3 = edge_index[1].astype(jnp.int32).reshape(NW, NCH, CHUNK)
    batch3 = batch.astype(jnp.int32).reshape(NBLK, 1, ROW_BLK)
    zeros = jnp.zeros((N_PAD, H), jnp.float32)
    gs = (gamma / jnp.sqrt(1.0 + 1e-5)).reshape(1, H)
    beta2 = beta.reshape(1, H)
    b1r, b2r, b3r, b4r = (v.reshape(1, H) for v in (b1, b2, b3, b4))
    bm1r = bm1.reshape(1, H)
    bm2r = bm2.reshape(1, H // 2)
    bm3r = bm3.reshape(1, C)

    y = pl.pallas_call(
        _mm_body,
        grid=(NBLK,),
        in_specs=[pl.BlockSpec((ROW_BLK, F_IN), lambda i: (i, 0)),
                  _full((F_IN, H))],
        out_specs=pl.BlockSpec((ROW_BLK, H), lambda i: (i, 0)),
        out_shape=jax.ShapeDtypeStruct((N, H), jnp.float32),
    )(x, W1)

    s1 = _seg_sum(y, src3, dst3, zeros)

    h = pl.pallas_call(
        _conv1_body,
        grid=(NBLK,),
        in_specs=[pl.BlockSpec((ROW_BLK, H), lambda i: (i, 0)),
                  pl.BlockSpec((NC, ROW_BLK, H), lambda i: (0, i, 0)),
                  _full((1, H)), _full((1, H)), _full((1, H)),
                  _full((H, H)), _full((1, H))],
        out_specs=pl.BlockSpec((ROW_BLK, H), lambda i: (i, 0)),
        out_shape=jax.ShapeDtypeStruct((N, H), jnp.float32),
    )(y, s1, gs, beta2, b1r, W2, b2r)

    s2 = _seg_sum(h, src3, dst3, zeros)

    out = pl.pallas_call(
        _conv2_pool_body,
        grid=(NBLK,),
        in_specs=[pl.BlockSpec((ROW_BLK, H), lambda i: (i, 0)),
                  pl.BlockSpec((NC, ROW_BLK, H), lambda i: (0, i, 0)),
                  pl.BlockSpec((1, 1, ROW_BLK), lambda i: (i, 0, 0)),
                  _full((H, H)), _full((1, H)),
                  _full((H, H)), _full((1, H)),
                  _full((H, H)), _full((1, H)),
                  _full((H, H // 2)), _full((1, H // 2)),
                  _full((H // 2, C)), _full((1, C))],
        out_specs=_full((B, C)),
        out_shape=jax.ShapeDtypeStruct((B, C), jnp.float32),
        scratch_shapes=[pltpu.VMEM((B, H), jnp.float32)],
    )(h, s2, batch3, W3, b3r, W4, b4r, Wm1, bm1r, Wm2, bm2r, Wm3, bm3r)

    return out

# --- scband reference (transcript-rebuilt; emitter-appended) ---
"""Pipeline reference for scband-gin-pool-net-53163105190392 (READ-ONLY COPY).

The authoritative reference and input builder live on the scoring server;
editing this copy changes nothing except your own understanding.
"""

import jax, jax.numpy as jnp
import numpy as np

N = 10000
E = 320000
F_IN = 128
H = 64
C = 10
B = 64

def elu(v):
    return jnp.where(v > 0, v, jnp.expm1(v))

def setup_inputs(seed: int = 0) -> dict:
    key = jax.random.key(seed)
    ks = jax.random.split(key, 24)
    x = jax.random.normal(ks[0], (N, F_IN), dtype=jnp.float32)
    edge_index = jax.random.randint(ks[1], (2, E), 0, N)
    batch = jnp.sort(jax.random.randint(ks[2], (N,), 0, B))
    def lin(k, fi, fo):
        return jax.random.normal(k, (fi, fo), dtype=jnp.float32) * (1.0 / np.sqrt(fi))
    inp = {
        'x': x, 'edge_index': edge_index, 'batch': batch,
        # pre GINConv MLP: Linear(128,64) -> BN -> ELU -> Linear(64,64)
        'W1': lin(ks[3], F_IN, H), 'b1': jnp.zeros((H,), jnp.float32),
        'gamma': jnp.ones((H,), jnp.float32), 'beta': jnp.zeros((H,), jnp.float32),
        'W2': lin(ks[4], H, H), 'b2': jnp.zeros((H,), jnp.float32),
        # post GINConv MLP (norm=None): Linear(64,64) -> ELU -> Linear(64,64)
        'W3': lin(ks[5], H, H), 'b3': jnp.zeros((H,), jnp.float32),
        'W4': lin(ks[6], H, H), 'b4': jnp.zeros((H,), jnp.float32),
        # readout MLP [64,64,32,10], norm=None, dropout inactive in eval
        'Wm1': lin(ks[7], H, H), 'bm1': jnp.zeros((H,), jnp.float32),
        'Wm2': lin(ks[8], H, H // 2), 'bm2': jnp.zeros((H // 2,), jnp.float32),
        'Wm3': lin(ks[9], H // 2, C), 'bm3': jnp.zeros((C,), jnp.float32),
    }
    return inp

def reference(x, edge_index, batch, W1, b1, gamma, beta, W2, b2, W3, b3, W4, b4, Wm1, bm1, Wm2, bm2, Wm3, bm3):
    src = edge_index[0]
    dst = edge_index[1]
    n = x.shape[0]
    # pre GINConv (eps=0): h = MLP(x + sum_{j->i} x_j)
    agg = jax.ops.segment_sum(x[src], dst, num_segments=n)
    h = x + agg
    h = h @ W1 + b1
    # BatchNorm1d in eval mode (running_mean=0, running_var=1, eps=1e-5)
    h = gamma * h / jnp.sqrt(1.0 + 1e-5) + beta
    h = elu(h)
    h = h @ W2 + b2
    h = elu(h)  # activation after conv layer
    # post GINConv (eps=0, norm=None)
    agg2 = jax.ops.segment_sum(h[src], dst, num_segments=n)
    h2 = h + agg2
    h2 = h2 @ W3 + b3
    h2 = elu(h2)
    h2 = h2 @ W4 + b4
    h2 = elu(h2)  # activation after conv layer
    # global_add_pool over graphs
    g = jax.ops.segment_sum(h2, batch, num_segments=B)
    # readout MLP (dropout=0.5 inactive in eval)
    o = elu(g @ Wm1 + bm1)
    o = elu(o @ Wm2 + bm2)
    o = o @ Wm3 + bm3
    return jax.nn.log_softmax(o, axis=-1)

if __name__ == "__main__":
    import jax
    _d = setup_inputs()
    print(jax.jit(kernel)(*tuple(_d.values())))

</pallas_src>

<mosaic_0001>
#map = affine_map<(d0, d1) -> (0, 0)>
#map1 = affine_map<(d0, d1) -> (0, 0, 0)>
module attributes {stable_mosaic.version = 14 : i64} {
  func.func @_seg_sum(%arg0: i32, %arg1: i32, %arg2: memref<10000x64xf32, #tpu.memory_space<hbm>>, %arg3: memref<32x125x80xi32, #tpu.memory_space<hbm>>, %arg4: memref<32x125x80xi32, #tpu.memory_space<hbm>>, %arg5: memref<10240x64xf32, #tpu.memory_space<hbm>>, %arg6: memref<2x10240x64xf32, #tpu.memory_space<hbm>>, %arg7: memref<125x80xi32, #tpu.memory_space<vmem>>, %arg8: memref<125x80xi32, #tpu.memory_space<vmem>>, %arg9: memref<80x64xf32, #tpu.memory_space<vmem>>, %arg10: memref<!tpu.dma_semaphore, #tpu.memory_space<semaphore_mem>>, %arg11: memref<10240x64xf32, #tpu.memory_space<vmem_shared>>) attributes {dimension_semantics = [#tpu.dimension_semantics<core_parallel>, #tpu.dimension_semantics<subcore_parallel>], iteration_bounds = array<i64: 2, 16>, scalar_prefetch = 0 : i64, scratch_operands = 5 : i64, tpu.core_type = #tpu.core_type<sc_vector_subcore>, window_params = [{transform_indices = #map}, {transform_indices = #map1}, {transform_indices = #map1}, {transform_indices = #map}, {transform_indices = #map1}]} {
    %mul3A = arith.constant 2 : i32
    %mul3A_0 = arith.muli %arg1, %mul3A : i32
    %add3A = arith.addi %mul3A_0, %arg0 : i32
    "tpu.region"() ({
      %run_scoped3A = tpu.sem_alloc : memref<!tpu.dma_semaphore, #tpu.memory_space<semaphore_mem>>
      %dma_start3A = arith.constant 0 : i32
      %dma_start3A_15 = arith.constant 0 : i32
      %dma_start3A_16 = tpu.memref_slice %arg3[%add3A, %dma_start3A, %dma_start3A_15] : memref<32x125x80xi32, #tpu.memory_space<hbm>> -> memref<1x125x80xi32, #tpu.memory_space<hbm>>
      %dma_start3A_17 = tpu.memref_squeeze %dma_start3A_16 : memref<1x125x80xi32, #tpu.memory_space<hbm>> -> memref<125x80xi32, #tpu.memory_space<hbm>>
      %dma_start3A_18 = arith.constant 0 : i32
      %dma_start3A_19 = arith.constant 0 : i32
      %dma_start3A_20 = tpu.memref_slice %arg3[%add3A, %dma_start3A_18, %dma_start3A_19] : memref<32x125x80xi32, #tpu.memory_space<hbm>> -> memref<1x125x80xi32, #tpu.memory_space<hbm>>
      %dma_start3A_21 = tpu.memref_squeeze %dma_start3A_20 : memref<1x125x80xi32, #tpu.memory_space<hbm>> -> memref<125x80xi32, #tpu.memory_space<hbm>>
      tpu.enqueue_dma source(%dma_start3A_21 : memref<125x80xi32, #tpu.memory_space<hbm>>) target(%arg7 : memref<125x80xi32, #tpu.memory_space<vmem>>) target_semaphore(%run_scoped3A : memref<!tpu.dma_semaphore, #tpu.memory_space<semaphore_mem>>)
      %dma_wait3A = arith.constant 0 : i32
      %dma_wait3A_22 = arith.constant 0 : i32
      %dma_wait3A_23 = tpu.memref_slice %arg3[%add3A, %dma_wait3A, %dma_wait3A_22] : memref<32x125x80xi32, #tpu.memory_space<hbm>> -> memref<1x125x80xi32, #tpu.memory_space<hbm>>
      %dma_wait3A_24 = tpu.memref_squeeze %dma_wait3A_23 : memref<1x125x80xi32, #tpu.memory_space<hbm>> -> memref<125x80xi32, #tpu.memory_space<hbm>>
      %dma_wait3A_25 = arith.constant 0 : i32
      %dma_wait3A_26 = arith.constant 0 : i32
      %dma_wait3A_27 = tpu.memref_slice %arg3[%add3A, %dma_wait3A_25, %dma_wait3A_26] : memref<32x125x80xi32, #tpu.memory_space<hbm>> -> memref<1x125x80xi32, #tpu.memory_space<hbm>>
      %dma_wait3A_28 = tpu.memref_squeeze %dma_wait3A_27 : memref<1x125x80xi32, #tpu.memory_space<hbm>> -> memref<125x80xi32, #tpu.memory_space<hbm>>
      tpu.wait_dma2 semaphore(%run_scoped3A : memref<!tpu.dma_semaphore, #tpu.memory_space<semaphore_mem>>) src(%dma_wait3A_28 : memref<125x80xi32, #tpu.memory_space<hbm>>) dst(%arg7 : memref<125x80xi32, #tpu.memory_space<vmem>>)
      tpu.yield
    }) : () -> ()
    "tpu.region"() ({
      %run_scoped3A = tpu.sem_alloc : memref<!tpu.dma_semaphore, #tpu.memory_space<semaphore_mem>>
      %dma_start3A = arith.constant 0 : i32
      %dma_start3A_15 = arith.constant 0 : i32
      %dma_start3A_16 = tpu.memref_slice %arg4[%add3A, %dma_start3A, %dma_start3A_15] : memref<32x125x80xi32, #tpu.memory_space<hbm>> -> memref<1x125x80xi32, #tpu.memory_space<hbm>>
      %dma_start3A_17 = tpu.memref_squeeze %dma_start3A_16 : memref<1x125x80xi32, #tpu.memory_space<hbm>> -> memref<125x80xi32, #tpu.memory_space<hbm>>
      %dma_start3A_18 = arith.constant 0 : i32
      %dma_start3A_19 = arith.constant 0 : i32
      %dma_start3A_20 = tpu.memref_slice %arg4[%add3A, %dma_start3A_18, %dma_start3A_19] : memref<32x125x80xi32, #tpu.memory_space<hbm>> -> memref<1x125x80xi32, #tpu.memory_space<hbm>>
      %dma_start3A_21 = tpu.memref_squeeze %dma_start3A_20 : memref<1x125x80xi32, #tpu.memory_space<hbm>> -> memref<125x80xi32, #tpu.memory_space<hbm>>
      tpu.enqueue_dma source(%dma_start3A_21 : memref<125x80xi32, #tpu.memory_space<hbm>>) target(%arg8 : memref<125x80xi32, #tpu.memory_space<vmem>>) target_semaphore(%run_scoped3A : memref<!tpu.dma_semaphore, #tpu.memory_space<semaphore_mem>>)
      %dma_wait3A = arith.constant 0 : i32
      %dma_wait3A_22 = arith.constant 0 : i32
      %dma_wait3A_23 = tpu.memref_slice %arg4[%add3A, %dma_wait3A, %dma_wait3A_22] : memref<32x125x80xi32, #tpu.memory_space<hbm>> -> memref<1x125x80xi32, #tpu.memory_space<hbm>>
      %dma_wait3A_24 = tpu.memref_squeeze %dma_wait3A_23 : memref<1x125x80xi32, #tpu.memory_space<hbm>> -> memref<125x80xi32, #tpu.memory_space<hbm>>
      %dma_wait3A_25 = arith.constant 0 : i32
      %dma_wait3A_26 = arith.constant 0 : i32
      %dma_wait3A_27 = tpu.memref_slice %arg4[%add3A, %dma_wait3A_25, %dma_wait3A_26] : memref<32x125x80xi32, #tpu.memory_space<hbm>> -> memref<1x125x80xi32, #tpu.memory_space<hbm>>
      %dma_wait3A_28 = tpu.memref_squeeze %dma_wait3A_27 : memref<1x125x80xi32, #tpu.memory_space<hbm>> -> memref<125x80xi32, #tpu.memory_space<hbm>>
      tpu.wait_dma2 semaphore(%run_scoped3A : memref<!tpu.dma_semaphore, #tpu.memory_space<semaphore_mem>>) src(%dma_wait3A_28 : memref<125x80xi32, #tpu.memory_space<hbm>>) dst(%arg8 : memref<125x80xi32, #tpu.memory_space<vmem>>)
      tpu.yield
    }) : () -> ()
    %mul3A_1 = arith.constant 640 : i32
    %mul3A_2 = arith.muli %arg1, %mul3A_1 : i32
    %mul3A_3 = arith.constant 640 : i32
    %mul3A_4 = arith.muli %arg1, %mul3A_3 : i32
    "tpu.region"() ({
      %run_scoped3A = tpu.sem_alloc : memref<!tpu.dma_semaphore, #tpu.memory_space<semaphore_mem>>
      %dma_start3A = arith.constant 0 : i32
      %dma_start3A_15 = tpu.memref_slice %arg11[%mul3A_4, %dma_start3A] : memref<10240x64xf32, #tpu.memory_space<vmem_shared>> -> memref<640x64xf32, #tpu.memory_space<vmem_shared>>
      %dma_start3A_16 = arith.constant 0 : i32
      %dma_start3A_17 = tpu.memref_slice %arg5[%mul3A_2, %dma_start3A_16] : memref<10240x64xf32, #tpu.memory_space<hbm>> -> memref<640x64xf32, #tpu.memory_space<hbm>>
      tpu.enqueue_dma source(%dma_start3A_17 : memref<640x64xf32, #tpu.memory_space<hbm>>) target(%dma_start3A_15 : memref<640x64xf32, #tpu.memory_space<vmem_shared>>) target_semaphore(%run_scoped3A : memref<!tpu.dma_semaphore, #tpu.memory_space<semaphore_mem>>)
      %dma_wait3A = arith.constant 0 : i32
      %dma_wait3A_18 = tpu.memref_slice %arg11[%mul3A_4, %dma_wait3A] : memref<10240x64xf32, #tpu.memory_space<vmem_shared>> -> memref<640x64xf32, #tpu.memory_space<vmem_shared>>
      %dma_wait3A_19 = arith.constant 0 : i32
      %dma_wait3A_20 = tpu.memref_slice %arg5[%mul3A_2, %dma_wait3A_19] : memref<10240x64xf32, #tpu.memory_space<hbm>> -> memref<640x64xf32, #tpu.memory_space<hbm>>
      tpu.wait_dma2 semaphore(%run_scoped3A : memref<!tpu.dma_semaphore, #tpu.memory_space<semaphore_mem>>) src(%dma_wait3A_20 : memref<640x64xf32, #tpu.memory_space<hbm>>) dst(%dma_wait3A_18 : memref<640x64xf32, #tpu.memory_space<vmem_shared>>)
      tpu.yield
    }) : () -> ()
    %barrier3A = arith.constant 0 : index
    tpu.barrier barrier_id(%barrier3A)
    %scan3A = arith.constant 0 : i32
    %scan3A_5 = arith.constant 0 : i32
    %scan3A_6 = arith.constant 125 : i32
    %scan3A_7 = arith.addi %scan3A_5, %scan3A_6 : i32
    %scan3A_8 = arith.constant 1 : i32
    scf.for %scan3A_15 = %scan3A_5 to %scan3A_7 step %scan3A_8  : i32 {
      %dma_start3A = arith.constant 0 : i32
      %dma_start3A_16 = tpu.memref_slice %arg7[%scan3A_15, %dma_start3A] : memref<125x80xi32, #tpu.memory_space<vmem>> -> memref<1x80xi32, #tpu.memory_space<vmem>>
      %dma_start3A_17 = tpu.memref_squeeze %dma_start3A_16 : memref<1x80xi32, #tpu.memory_space<vmem>> -> memref<80xi32, #tpu.memory_space<vmem>>
      %dma_start3A_18 = arith.constant 0 : i32
      %dma_start3A_19 = arith.constant 0 : i32
      %dma_start3A_20 = tpu.memref_slice %arg2[%dma_start3A_18, %dma_start3A_19] : memref<10000x64xf32, #tpu.memory_space<hbm>> -> memref<10000x64xf32, #tpu.memory_space<hbm>>
      tpu.enqueue_indirect_dma source(%dma_start3A_20 : memref<10000x64xf32, #tpu.memory_space<hbm>>) target(%arg9 : memref<80x64xf32, #tpu.memory_space<vmem>>) offsets(%dma_start3A_17 : memref<80xi32, #tpu.memory_space<vmem>>) semaphore(%arg10 : memref<!tpu.dma_semaphore, #tpu.memory_space<semaphore_mem>>)
      %dma_wait3A = arith.constant 0 : i32
      %dma_wait3A_21 = tpu.memref_slice %arg7[%scan3A_15, %dma_wait3A] : memref<125x80xi32, #tpu.memory_space<vmem>> -> memref<1x80xi32, #tpu.memory_space<vmem>>
      %dma_wait3A_22 = tpu.memref_squeeze %dma_wait3A_21 : memref<1x80xi32, #tpu.memory_space<vmem>> -> memref<80xi32, #tpu.memory_space<vmem>>
      %dma_wait3A_23 = arith.constant 0 : i32
      %dma_wait3A_24 = arith.constant 0 : i32
      %dma_wait3A_25 = tpu.memref_slice %arg2[%dma_wait3A_23, %dma_wait3A_24] : memref<10000x64xf32, #tpu.memory_space<hbm>> -> memref<10000x64xf32, #tpu.memory_space<hbm>>
      tpu.wait_indirect_dma semaphore(%arg10 : memref<!tpu.dma_semaphore, #tpu.memory_space<semaphore_mem>>) src(%dma_wait3A_25 : memref<10000x64xf32, #tpu.memory_space<hbm>>) dst(%arg9 : memref<80x64xf32, #tpu.memory_space<vmem>>)
      "tpu.region"() ({
        %run_scoped3A = tpu.sem_alloc : memref<!tpu.dma_semaphore, #tpu.memory_space<semaphore_mem>>
        %dma_start3A_26 = arith.constant 0 : i32
        %dma_start3A_27 = tpu.memref_slice %arg8[%scan3A_15, %dma_start3A_26] : memref<125x80xi32, #tpu.memory_space<vmem>> -> memref<1x80xi32, #tpu.memory_space<vmem>>
        %dma_start3A_28 = tpu.memref_squeeze %dma_start3A_27 : memref<1x80xi32, #tpu.memory_space<vmem>> -> memref<80xi32, #tpu.memory_space<vmem>>
        %dma_start3A_29 = arith.constant 0 : i32
        %dma_start3A_30 = arith.constant 0 : i32
        %dma_start3A_31 = tpu.memref_slice %arg11[%dma_start3A_29, %dma_start3A_30] : memref<10240x64xf32, #tpu.memory_space<vmem_shared>> -> memref<10240x64xf32, #tpu.memory_space<vmem_shared>>
        tpu.enqueue_indirect_dma source(%arg9 : memref<80x64xf32, #tpu.memory_space<vmem>>) target(%dma_start3A_31 : memref<10240x64xf32, #tpu.memory_space<vmem_shared>>) offsets(%dma_start3A_28 : memref<80xi32, #tpu.memory_space<vmem>>) semaphore(%run_scoped3A : memref<!tpu.dma_semaphore, #tpu.memory_space<semaphore_mem>>) {add = true}
        %dma_wait3A_32 = arith.constant 0 : i32
        %dma_wait3A_33 = tpu.memref_slice %arg8[%scan3A_15, %dma_wait3A_32] : memref<125x80xi32, #tpu.memory_space<vmem>> -> memref<1x80xi32, #tpu.memory_space<vmem>>
        %dma_wait3A_34 = tpu.memref_squeeze %dma_wait3A_33 : memref<1x80xi32, #tpu.memory_space<vmem>> -> memref<80xi32, #tpu.memory_space<vmem>>
        %dma_wait3A_35 = arith.constant 0 : i32
        %dma_wait3A_36 = arith.constant 0 : i32
        %dma_wait3A_37 = tpu.memref_slice %arg11[%dma_wait3A_35, %dma_wait3A_36] : memref<10240x64xf32, #tpu.memory_space<vmem_shared>> -> memref<10240x64xf32, #tpu.memory_space<vmem_shared>>
        tpu.wait_indirect_dma semaphore(%run_scoped3A : memref<!tpu.dma_semaphore, #tpu.memory_space<semaphore_mem>>) src(%arg9 : memref<80x64xf32, #tpu.memory_space<vmem>>) dst(%dma_wait3A_37 : memref<10240x64xf32, #tpu.memory_space<vmem_shared>>)
        tpu.yield
      }) : () -> ()
    }
    %scan3A_9 = arith.constant 125 : i32
    %barrier3A_10 = arith.constant 0 : index
    tpu.barrier barrier_id(%barrier3A_10)
    %mul3A_11 = arith.constant 640 : i32
    %mul3A_12 = arith.muli %arg1, %mul3A_11 : i32
    %mul3A_13 = arith.constant 640 : i32
    %mul3A_14 = arith.muli %arg1, %mul3A_13 : i32
    "tpu.region"() ({
      %run_scoped3A = tpu.sem_alloc : memref<!tpu.dma_semaphore, #tpu.memory_space<semaphore_mem>>
      %dma_start3A = arith.constant 0 : i32
      %dma_start3A_15 = tpu.memref_slice %arg6[%arg0, %mul3A_14, %dma_start3A] : memref<2x10240x64xf32, #tpu.memory_space<hbm>> -> memref<1x640x64xf32, #tpu.memory_space<hbm>>
      %dma_start3A_16 = tpu.memref_squeeze %dma_start3A_15 : memref<1x640x64xf32, #tpu.memory_space<hbm>> -> memref<640x64xf32, #tpu.memory_space<hbm>>
      %dma_start3A_17 = arith.constant 0 : i32
      %dma_start3A_18 = tpu.memref_slice %arg11[%mul3A_12, %dma_start3A_17] : memref<10240x64xf32, #tpu.memory_space<vmem_shared>> -> memref<640x64xf32, #tpu.memory_space<vmem_shared>>
      tpu.enqueue_dma source(%dma_start3A_18 : memref<640x64xf32, #tpu.memory_space<vmem_shared>>) target(%dma_start3A_16 : memref<640x64xf32, #tpu.memory_space<hbm>>) target_semaphore(%run_scoped3A : memref<!tpu.dma_semaphore, #tpu.memory_space<semaphore_mem>>)
      %dma_wait3A = arith.constant 0 : i32
      %dma_wait3A_19 = tpu.memref_slice %arg6[%arg0, %mul3A_14, %dma_wait3A] : memref<2x10240x64xf32, #tpu.memory_space<hbm>> -> memref<1x640x64xf32, #tpu.memory_space<hbm>>
      %dma_wait3A_20 = tpu.memref_squeeze %dma_wait3A_19 : memref<1x640x64xf32, #tpu.memory_space<hbm>> -> memref<640x64xf32, #tpu.memory_space<hbm>>
      %dma_wait3A_21 = arith.constant 0 : i32
      %dma_wait3A_22 = tpu.memref_slice %arg11[%mul3A_12, %dma_wait3A_21] : memref<10240x64xf32, #tpu.memory_space<vmem_shared>> -> memref<640x64xf32, #tpu.memory_space<vmem_shared>>
      tpu.wait_dma2 semaphore(%run_scoped3A : memref<!tpu.dma_semaphore, #tpu.memory_space<semaphore_mem>>) src(%dma_wait3A_22 : memref<640x64xf32, #tpu.memory_space<vmem_shared>>) dst(%dma_wait3A_20 : memref<640x64xf32, #tpu.memory_space<hbm>>)
      tpu.yield
    }) : () -> ()
    return
  }
}

#map = affine_map<(d0, d1) -> (0, 0)>
#map1 = affine_map<(d0, d1) -> (0, 0, 0)>
module attributes {stable_mosaic.version = 14 : i64} {
  func.func @_seg_sum(%arg0: i32, %arg1: i32, %arg2: memref<10000x64xf32, #tpu.memory_space<hbm>>, %arg3: memref<32x125x80xi32, #tpu.memory_space<hbm>>, %arg4: memref<32x125x80xi32, #tpu.memory_space<hbm>>, %arg5: memref<10240x64xf32, #tpu.memory_space<hbm>>, %arg6: memref<2x10240x64xf32, #tpu.memory_space<hbm>>, %arg7: memref<125x80xi32, #tpu.memory_space<vmem>>, %arg8: memref<125x80xi32, #tpu.memory_space<vmem>>, %arg9: memref<80x64xf32, #tpu.memory_space<vmem>>, %arg10: memref<!tpu.dma_semaphore, #tpu.memory_space<semaphore_mem>>, %arg11: memref<10240x64xf32, #tpu.memory_space<vmem_shared>>) attributes {dimension_semantics = [#tpu.dimension_semantics<core_parallel>, #tpu.dimension_semantics<subcore_parallel>], iteration_bounds = array<i64: 2, 16>, scalar_prefetch = 0 : i64, scratch_operands = 5 : i64, tpu.core_type = #tpu.core_type<sc_vector_subcore>, window_params = [{transform_indices = #map}, {transform_indices = #map1}, {transform_indices = #map1}, {transform_indices = #map}, {transform_indices = #map1}]} {
    %mul3A = arith.constant 2 : i32
    %mul3A_0 = arith.muli %arg1, %mul3A : i32
    %add3A = arith.addi %mul3A_0, %arg0 : i32
    "tpu.region"() ({
      %run_scoped3A = tpu.sem_alloc : memref<!tpu.dma_semaphore, #tpu.memory_space<semaphore_mem>>
      %dma_start3A = arith.constant 0 : i32
      %dma_start3A_15 = arith.constant 0 : i32
      %dma_start3A_16 = tpu.memref_slice %arg3[%add3A, %dma_start3A, %dma_start3A_15] : memref<32x125x80xi32, #tpu.memory_space<hbm>> -> memref<1x125x80xi32, #tpu.memory_space<hbm>>
      %dma_start3A_17 = tpu.memref_squeeze %dma_start3A_16 : memref<1x125x80xi32, #tpu.memory_space<hbm>> -> memref<125x80xi32, #tpu.memory_space<hbm>>
      %dma_start3A_18 = arith.constant 0 : i32
      %dma_start3A_19 = arith.constant 0 : i32
      %dma_start3A_20 = tpu.memref_slice %arg3[%add3A, %dma_start3A_18, %dma_start3A_19] : memref<32x125x80xi32, #tpu.memory_space<hbm>> -> memref<1x125x80xi32, #tpu.memory_space<hbm>>
      %dma_start3A_21 = tpu.memref_squeeze %dma_start3A_20 : memref<1x125x80xi32, #tpu.memory_space<hbm>> -> memref<125x80xi32, #tpu.memory_space<hbm>>
      tpu.enqueue_dma source(%dma_start3A_21 : memref<125x80xi32, #tpu.memory_space<hbm>>) target(%arg7 : memref<125x80xi32, #tpu.memory_space<vmem>>) target_semaphore(%run_scoped3A : memref<!tpu.dma_semaphore, #tpu.memory_space<semaphore_mem>>)
      %dma_wait3A = arith.constant 0 : i32
      %dma_wait3A_22 = arith.constant 0 : i32
      %dma_wait3A_23 = tpu.memref_slice %arg3[%add3A, %dma_wait3A, %dma_wait3A_22] : memref<32x125x80xi32, #tpu.memory_space<hbm>> -> memref<1x125x80xi32, #tpu.memory_space<hbm>>
      %dma_wait3A_24 = tpu.memref_squeeze %dma_wait3A_23 : memref<1x125x80xi32, #tpu.memory_space<hbm>> -> memref<125x80xi32, #tpu.memory_space<hbm>>
      %dma_wait3A_25 = arith.constant 0 : i32
      %dma_wait3A_26 = arith.constant 0 : i32
      %dma_wait3A_27 = tpu.memref_slice %arg3[%add3A, %dma_wait3A_25, %dma_wait3A_26] : memref<32x125x80xi32, #tpu.memory_space<hbm>> -> memref<1x125x80xi32, #tpu.memory_space<hbm>>
      %dma_wait3A_28 = tpu.memref_squeeze %dma_wait3A_27 : memref<1x125x80xi32, #tpu.memory_space<hbm>> -> memref<125x80xi32, #tpu.memory_space<hbm>>
      tpu.wait_dma2 semaphore(%run_scoped3A : memref<!tpu.dma_semaphore, #tpu.memory_space<semaphore_mem>>) src(%dma_wait3A_28 : memref<125x80xi32, #tpu.memory_space<hbm>>) dst(%arg7 : memref<125x80xi32, #tpu.memory_space<vmem>>)
      tpu.yield
    }) : () -> ()
    "tpu.region"() ({
      %run_scoped3A = tpu.sem_alloc : memref<!tpu.dma_semaphore, #tpu.memory_space<semaphore_mem>>
      %dma_start3A = arith.constant 0 : i32
      %dma_start3A_15 = arith.constant 0 : i32
      %dma_start3A_16 = tpu.memref_slice %arg4[%add3A, %dma_start3A, %dma_start3A_15] : memref<32x125x80xi32, #tpu.memory_space<hbm>> -> memref<1x125x80xi32, #tpu.memory_space<hbm>>
      %dma_start3A_17 = tpu.memref_squeeze %dma_start3A_16 : memref<1x125x80xi32, #tpu.memory_space<hbm>> -> memref<125x80xi32, #tpu.memory_space<hbm>>
      %dma_start3A_18 = arith.constant 0 : i32
      %dma_start3A_19 = arith.constant 0 : i32
      %dma_start3A_20 = tpu.memref_slice %arg4[%add3A, %dma_start3A_18, %dma_start3A_19] : memref<32x125x80xi32, #tpu.memory_space<hbm>> -> memref<1x125x80xi32, #tpu.memory_space<hbm>>
      %dma_start3A_21 = tpu.memref_squeeze %dma_start3A_20 : memref<1x125x80xi32, #tpu.memory_space<hbm>> -> memref<125x80xi32, #tpu.memory_space<hbm>>
      tpu.enqueue_dma source(%dma_start3A_21 : memref<125x80xi32, #tpu.memory_space<hbm>>) target(%arg8 : memref<125x80xi32, #tpu.memory_space<vmem>>) target_semaphore(%run_scoped3A : memref<!tpu.dma_semaphore, #tpu.memory_space<semaphore_mem>>)
      %dma_wait3A = arith.constant 0 : i32
      %dma_wait3A_22 = arith.constant 0 : i32
      %dma_wait3A_23 = tpu.memref_slice %arg4[%add3A, %dma_wait3A, %dma_wait3A_22] : memref<32x125x80xi32, #tpu.memory_space<hbm>> -> memref<1x125x80xi32, #tpu.memory_space<hbm>>
      %dma_wait3A_24 = tpu.memref_squeeze %dma_wait3A_23 : memref<1x125x80xi32, #tpu.memory_space<hbm>> -> memref<125x80xi32, #tpu.memory_space<hbm>>
      %dma_wait3A_25 = arith.constant 0 : i32
      %dma_wait3A_26 = arith.constant 0 : i32
      %dma_wait3A_27 = tpu.memref_slice %arg4[%add3A, %dma_wait3A_25, %dma_wait3A_26] : memref<32x125x80xi32, #tpu.memory_space<hbm>> -> memref<1x125x80xi32, #tpu.memory_space<hbm>>
      %dma_wait3A_28 = tpu.memref_squeeze %dma_wait3A_27 : memref<1x125x80xi32, #tpu.memory_space<hbm>> -> memref<125x80xi32, #tpu.memory_space<hbm>>
      tpu.wait_dma2 semaphore(%run_scoped3A : memref<!tpu.dma_semaphore, #tpu.memory_space<semaphore_mem>>) src(%dma_wait3A_28 : memref<125x80xi32, #tpu.memory_space<hbm>>) dst(%arg8 : memref<125x80xi32, #tpu.memory_space<vmem>>)
      tpu.yield
    }) : () -> ()
    %mul3A_1 = arith.constant 640 : i32
    %mul3A_2 = arith.muli %arg1, %mul3A_1 : i32
    %mul3A_3 = arith.constant 640 : i32
    %mul3A_4 = arith.muli %arg1, %mul3A_3 : i32
    "tpu.region"() ({
      %run_scoped3A = tpu.sem_alloc : memref<!tpu.dma_semaphore, #tpu.memory_space<semaphore_mem>>
      %dma_start3A = arith.constant 0 : i32
      %dma_start3A_15 = tpu.memref_slice %arg11[%mul3A_4, %dma_start3A] : memref<10240x64xf32, #tpu.memory_space<vmem_shared>> -> memref<640x64xf32, #tpu.memory_space<vmem_shared>>
      %dma_start3A_16 = arith.constant 0 : i32
      %dma_start3A_17 = tpu.memref_slice %arg5[%mul3A_2, %dma_start3A_16] : memref<10240x64xf32, #tpu.memory_space<hbm>> -> memref<640x64xf32, #tpu.memory_space<hbm>>
      tpu.enqueue_dma source(%dma_start3A_17 : memref<640x64xf32, #tpu.memory_space<hbm>>) target(%dma_start3A_15 : memref<640x64xf32, #tpu.memory_space<vmem_shared>>) target_semaphore(%run_scoped3A : memref<!tpu.dma_semaphore, #tpu.memory_space<semaphore_mem>>)
      %dma_wait3A = arith.constant 0 : i32
      %dma_wait3A_18 = tpu.memref_slice %arg11[%mul3A_4, %dma_wait3A] : memref<10240x64xf32, #tpu.memory_space<vmem_shared>> -> memref<640x64xf32, #tpu.memory_space<vmem_shared>>
      %dma_wait3A_19 = arith.constant 0 : i32
      %dma_wait3A_20 = tpu.memref_slice %arg5[%mul3A_2, %dma_wait3A_19] : memref<10240x64xf32, #tpu.memory_space<hbm>> -> memref<640x64xf32, #tpu.memory_space<hbm>>
      tpu.wait_dma2 semaphore(%run_scoped3A : memref<!tpu.dma_semaphore, #tpu.memory_space<semaphore_mem>>) src(%dma_wait3A_20 : memref<640x64xf32, #tpu.memory_space<hbm>>) dst(%dma_wait3A_18 : memref<640x64xf32, #tpu.memory_space<vmem_shared>>)
      tpu.yield
    }) : () -> ()
    %barrier3A = arith.constant 0 : index
    tpu.barrier barrier_id(%barrier3A)
    %scan3A = arith.constant 0 : i32
    %scan3A_5 = arith.constant 0 : i32
    %scan3A_6 = arith.constant 125 : i32
    %scan3A_7 = arith.addi %scan3A_5, %scan3A_6 : i32
    %scan3A_8 = arith.constant 1 : i32
    scf.for %scan3A_15 = %scan3A_5 to %scan3A_7 step %scan3A_8  : i32 {
      %dma_start3A = arith.constant 0 : i32
      %dma_start3A_16 = tpu.memref_slice %arg7[%scan3A_15, %dma_start3A] : memref<125x80xi32, #tpu.memory_space<vmem>> -> memref<1x80xi32, #tpu.memory_space<vmem>>
      %dma_start3A_17 = tpu.memref_squeeze %dma_start3A_16 : memref<1x80xi32, #tpu.memory_space<vmem>> -> memref<80xi32, #tpu.memory_space<vmem>>
      %dma_start3A_18 = arith.constant 0 : i32
      %dma_start3A_19 = arith.constant 0 : i32
      %dma_start3A_20 = tpu.memref_slice %arg2[%dma_start3A_18, %dma_start3A_19] : memref<10000x64xf32, #tpu.memory_space<hbm>> -> memref<10000x64xf32, #tpu.memory_space<hbm>>
      tpu.enqueue_indirect_dma source(%dma_start3A_20 : memref<10000x64xf32, #tpu.memory_space<hbm>>) target(%arg9 : memref<80x64xf32, #tpu.memory_space<vmem>>) offsets(%dma_start3A_17 : memref<80xi32, #tpu.memory_space<vmem>>) semaphore(%arg10 : memref<!tpu.dma_semaphore, #tpu.memory_space<semaphore_mem>>)
      %dma_wait3A = arith.constant 0 : i32
      %dma_wait3A_21 = tpu.memref_slice %arg7[%scan3A_15, %dma_wait3A] : memref<125x80xi32, #tpu.memory_space<vmem>> -> memref<1x80xi32, #tpu.memory_space<vmem>>
      %dma_wait3A_22 = tpu.memref_squeeze %dma_wait3A_21 : memref<1x80xi32, #tpu.memory_space<vmem>> -> memref<80xi32, #tpu.memory_space<vmem>>
      %dma_wait3A_23 = arith.constant 0 : i32
      %dma_wait3A_24 = arith.constant 0 : i32
      %dma_wait3A_25 = tpu.memref_slice %arg2[%dma_wait3A_23, %dma_wait3A_24] : memref<10000x64xf32, #tpu.memory_space<hbm>> -> memref<10000x64xf32, #tpu.memory_space<hbm>>
      tpu.wait_indirect_dma semaphore(%arg10 : memref<!tpu.dma_semaphore, #tpu.memory_space<semaphore_mem>>) src(%dma_wait3A_25 : memref<10000x64xf32, #tpu.memory_space<hbm>>) dst(%arg9 : memref<80x64xf32, #tpu.memory_space<vmem>>)
      "tpu.region"() ({
        %run_scoped3A = tpu.sem_alloc : memref<!tpu.dma_semaphore, #tpu.memory_space<semaphore_mem>>
        %dma_start3A_26 = arith.constant 0 : i32
        %dma_start3A_27 = tpu.memref_slice %arg8[%scan3A_15, %dma_start3A_26] : memref<125x80xi32, #tpu.memory_space<vmem>> -> memref<1x80xi32, #tpu.memory_space<vmem>>
        %dma_start3A_28 = tpu.memref_squeeze %dma_start3A_27 : memref<1x80xi32, #tpu.memory_space<vmem>> -> memref<80xi32, #tpu.memory_space<vmem>>
        %dma_start3A_29 = arith.constant 0 : i32
        %dma_start3A_30 = arith.constant 0 : i32
        %dma_start3A_31 = tpu.memref_slice %arg11[%dma_start3A_29, %dma_start3A_30] : memref<10240x64xf32, #tpu.memory_space<vmem_shared>> -> memref<10240x64xf32, #tpu.memory_space<vmem_shared>>
        tpu.enqueue_indirect_dma source(%arg9 : memref<80x64xf32, #tpu.memory_space<vmem>>) target(%dma_start3A_31 : memref<10240x64xf32, #tpu.memory_space<vmem_shared>>) offsets(%dma_start3A_28 : memref<80xi32, #tpu.memory_space<vmem>>) semaphore(%run_scoped3A : memref<!tpu.dma_semaphore, #tpu.memory_space<semaphore_mem>>) {add = true}
        %dma_wait3A_32 = arith.constant 0 : i32
        %dma_wait3A_33 = tpu.memref_slice %arg8[%scan3A_15, %dma_wait3A_32] : memref<125x80xi32, #tpu.memory_space<vmem>> -> memref<1x80xi32, #tpu.memory_space<vmem>>
        %dma_wait3A_34 = tpu.memref_squeeze %dma_wait3A_33 : memref<1x80xi32, #tpu.memory_space<vmem>> -> memref<80xi32, #tpu.memory_space<vmem>>
        %dma_wait3A_35 = arith.constant 0 : i32
        %dma_wait3A_36 = arith.constant 0 : i32
        %dma_wait3A_37 = tpu.memref_slice %arg11[%dma_wait3A_35, %dma_wait3A_36] : memref<10240x64xf32, #tpu.memory_space<vmem_shared>> -> memref<10240x64xf32, #tpu.memory_space<vmem_shared>>
        tpu.wait_indirect_dma semaphore(%run_scoped3A : memref<!tpu.dma_semaphore, #tpu.memory_space<semaphore_mem>>) src(%arg9 : memref<80x64xf32, #tpu.memory_space<vmem>>) dst(%dma_wait3A_37 : memref<10240x64xf32, #tpu.memory_space<vmem_shared>>)
        tpu.yield
      }) : () -> ()
    }
    %scan3A_9 = arith.constant 125 : i32
    %barrier3A_10 = arith.constant 0 : index
    tpu.barrier barrier_id(%barrier3A_10)
    %mul3A_11 = arith.constant 640 : i32
    %mul3A_12 = arith.muli %arg1, %mul3A_11 : i32
    %mul3A_13 = arith.constant 640 : i32
    %mul3A_14 = arith.muli %arg1, %mul3A_13 : i32
    "tpu.region"() ({
      %run_scoped3A = tpu.sem_alloc : memref<!tpu.dma_semaphore, #tpu.memory_space<semaphore_mem>>
      %dma_start3A = arith.constant 0 : i32
      %dma_start3A_15 = tpu.memref_slice %arg6[%arg0, %mul3A_14, %dma_start3A] : memref<2x10240x64xf32, #tpu.memory_space<hbm>> -> memref<1x640x64xf32, #tpu.memory_space<hbm>>
      %dma_start3A_16 = tpu.memref_squeeze %dma_start3A_15 : memref<1x640x64xf32, #tpu.memory_space<hbm>> -> memref<640x64xf32, #tpu.memory_space<hbm>>
      %dma_start3A_17 = arith.constant 0 : i32
      %dma_start3A_18 = tpu.memref_slice %arg11[%mul3A_12, %dma_start3A_17] : memref<10240x64xf32, #tpu.memory_space<vmem_shared>> -> memref<640x64xf32, #tpu.memory_space<vmem_shared>>
      tpu.enqueue_dma source(%dma_start3A_18 : memref<640x64xf32, #tpu.memory_space<vmem_shared>>) target(%dma_start3A_16 : memref<640x64xf32, #tpu.memory_space<hbm>>) target_semaphore(%run_scoped3A : memref<!tpu.dma_semaphore, #tpu.memory_space<semaphore_mem>>)
      %dma_wait3A = arith.constant 0 : i32
      %dma_wait3A_19 = tpu.memref_slice %arg6[%arg0, %mul3A_14, %dma_wait3A] : memref<2x10240x64xf32, #tpu.memory_space<hbm>> -> memref<1x640x64xf32, #tpu.memory_space<hbm>>
      %dma_wait3A_20 = tpu.memref_squeeze %dma_wait3A_19 : memref<1x640x64xf32, #tpu.memory_space<hbm>> -> memref<640x64xf32, #tpu.memory_space<hbm>>
      %dma_wait3A_21 = arith.constant 0 : i32
      %dma_wait3A_22 = tpu.memref_slice %arg11[%mul3A_12, %dma_wait3A_21] : memref<10240x64xf32, #tpu.memory_space<vmem_shared>> -> memref<640x64xf32, #tpu.memory_space<vmem_shared>>
      tpu.wait_dma2 semaphore(%run_scoped3A : memref<!tpu.dma_semaphore, #tpu.memory_space<semaphore_mem>>) src(%dma_wait3A_22 : memref<640x64xf32, #tpu.memory_space<vmem_shared>>) dst(%dma_wait3A_20 : memref<640x64xf32, #tpu.memory_space<hbm>>)
      tpu.yield
    }) : () -> ()
    return
  }
}

module attributes {stable_mosaic.version = 14 : i64} {
  func.func @_mm_body(%arg0: i32, %arg1: memref<2000x128xf32, #tpu.memory_space<vmem>>, %arg2: memref<128x64xf32, #tpu.memory_space<vmem>>, %arg3: memref<2000x64xf32, #tpu.memory_space<vmem>>) attributes {dimension_semantics = [#tpu.dimension_semantics<arbitrary>], iteration_bounds = array<i64: 5>, scalar_prefetch = 0 : i64, scratch_operands = 0 : i64, tpu.core_type = #tpu.core_type<tc>, window_params = [{transform_indices = @transform_0, window_bounds = array<i64: 2000, 128>}, {pipeline_mode = #tpu.pipeline_mode<synchronous>, transform_indices = @transform_1, window_bounds = array<i64: 128, 64>}, {transform_indices = @transform_2, window_bounds = array<i64: 2000, 64>}]} {
    %get3A = arith.constant 0 : index
    %get3A_0 = arith.constant 0 : index
    %get3A_1 = vector.load %arg1[%get3A, %get3A_0] : memref<2000x128xf32, #tpu.memory_space<vmem>>, vector<2000x128xf32>
    %get3A_2 = arith.constant 0 : index
    %get3A_3 = arith.constant 0 : index
    %get3A_4 = vector.load %arg2[%get3A_2, %get3A_3] : memref<128x64xf32, #tpu.memory_space<vmem>>, vector<128x64xf32>
    %dot_general3A = arith.constant dense<0.000000e+00> : vector<2000x64xf32>
    %dot_general3A_5 = tpu.matmul %get3A_1, %get3A_4, %dot_general3A {dimension_numbers = #tpu.dot_dimension_numbers<[1], [0], [0], [1], [0, 0, 1, 1], [], []>, transpose_lhs_hint = false} : vector<2000x128xf32>, vector<128x64xf32>, vector<2000x64xf32> -> vector<2000x64xf32>
    %swap3A = arith.constant 0 : index
    %swap3A_6 = arith.constant 0 : index
    %swap3A_7 = vector.load %arg3[%swap3A, %swap3A_6] : memref<2000x64xf32, #tpu.memory_space<vmem>>, vector<2000x64xf32>
    tpu.vector_store %arg3[%swap3A, %swap3A_6], %dot_general3A_5 {strides = array<i32>} : memref<2000x64xf32, #tpu.memory_space<vmem>>, vector<2000x64xf32>,
    return
  }
  func.func @transform_0(%arg0: i32) -> (i32, i32) {
    %c0_i32 = arith.constant 0 : i32
    %c0_i32_0 = arith.constant 0 : i32
    return %arg0, %c0_i32 : i32, i32
  }
  func.func @transform_1(%arg0: i32) -> (i32, i32) {
    %c0_i32 = arith.constant 0 : i32
    %c0_i32_0 = arith.constant 0 : i32
    %c0_i32_1 = arith.constant 0 : i32
    return %c0_i32, %c0_i32_0 : i32, i32
  }
  func.func @transform_2(%arg0: i32) -> (i32, i32) {
    %c0_i32 = arith.constant 0 : i32
    %c0_i32_0 = arith.constant 0 : i32
    return %arg0, %c0_i32 : i32, i32
  }
}

module attributes {stable_mosaic.version = 14 : i64} {
  func.func @_conv1_body(%arg0: i32, %arg1: memref<2000x64xf32, #tpu.memory_space<vmem>>, %arg2: memref<2x2000x64xf32, #tpu.memory_space<vmem>>, %arg3: memref<1x64xf32, #tpu.memory_space<vmem>>, %arg4: memref<1x64xf32, #tpu.memory_space<vmem>>, %arg5: memref<1x64xf32, #tpu.memory_space<vmem>>, %arg6: memref<64x64xf32, #tpu.memory_space<vmem>>, %arg7: memref<1x64xf32, #tpu.memory_space<vmem>>, %arg8: memref<2000x64xf32, #tpu.memory_space<vmem>>) attributes {dimension_semantics = [#tpu.dimension_semantics<arbitrary>], iteration_bounds = array<i64: 5>, scalar_prefetch = 0 : i64, scratch_operands = 0 : i64, tpu.core_type = #tpu.core_type<tc>, window_params = [{transform_indices = @transform_0, window_bounds = array<i64: 2000, 64>}, {transform_indices = @transform_1, window_bounds = array<i64: 2, 2000, 64>}, {pipeline_mode = #tpu.pipeline_mode<synchronous>, transform_indices = @transform_2, window_bounds = array<i64: 1, 64>}, {pipeline_mode = #tpu.pipeline_mode<synchronous>, transform_indices = @transform_3, window_bounds = array<i64: 1, 64>}, {pipeline_mode = #tpu.pipeline_mode<synchronous>, transform_indices = @transform_4, window_bounds = array<i64: 1, 64>}, {pipeline_mode = #tpu.pipeline_mode<synchronous>, transform_indices = @transform_5, window_bounds = array<i64: 64, 64>}, {pipeline_mode = #tpu.pipeline_mode<synchronous>, transform_indices = @transform_6, window_bounds = array<i64: 1, 64>}, {transform_indices = @transform_7, window_bounds = array<i64: 2000, 64>}]} {
    %get3A = arith.constant 0 : index
    %get3A_0 = arith.constant 0 : index
    %get3A_1 = vector.load %arg1[%get3A, %get3A_0] : memref<2000x64xf32, #tpu.memory_space<vmem>>, vector<2000x64xf32>
    %get3A_2 = arith.constant 0 : index
    %get3A_3 = arith.constant 0 : index
    %get3A_4 = arith.constant 0 : index
    %get3A_5 = vector.load %arg2[%get3A_2, %get3A_3, %get3A_4] : memref<2x2000x64xf32, #tpu.memory_space<vmem>>, vector<1x2000x64xf32>
    %get3A_6 = vector.shape_cast %get3A_5 : vector<1x2000x64xf32> to vector<2000x64xf32>
    %add3A = arith.addf %get3A_1, %get3A_6 : vector<2000x64xf32>
    %get3A_7 = arith.constant 1 : index
    %get3A_8 = arith.constant 0 : index
    %get3A_9 = arith.constant 0 : index
    %get3A_10 = vector.load %arg2[%get3A_7, %get3A_8, %get3A_9] : memref<2x2000x64xf32, #tpu.memory_space<vmem>>, vector<1x2000x64xf32>
    %get3A_11 = vector.shape_cast %get3A_10 : vector<1x2000x64xf32> to vector<2000x64xf32>
    %add3A_12 = arith.addf %add3A, %get3A_11 : vector<2000x64xf32>
    %get3A_13 = arith.constant 0 : index
    %get3A_14 = arith.constant 0 : index
    %get3A_15 = vector.load %arg5[%get3A_13, %get3A_14] : memref<1x64xf32, #tpu.memory_space<vmem>>, vector<1x64xf32>
    %add3A_16 = vector.broadcast %get3A_15 : vector<1x64xf32> to vector<2000x64xf32>
    %add3A_17 = arith.addf %add3A_12, %add3A_16 : vector<2000x64xf32>
    %get3A_18 = arith.constant 0 : index
    %get3A_19 = arith.constant 0 : index
    %get3A_20 = vector.load %arg3[%get3A_18, %get3A_19] : memref<1x64xf32, #tpu.memory_space<vmem>>, vector<1x64xf32>
    %mul3A = vector.broadcast %get3A_20 : vector<1x64xf32> to vector<2000x64xf32>
    %mul3A_21 = arith.mulf %mul3A, %add3A_17 : vector<2000x64xf32>
    %get3A_22 = arith.constant 0 : index
    %get3A_23 = arith.constant 0 : index
    %get3A_24 = vector.load %arg4[%get3A_22, %get3A_23] : memref<1x64xf32, #tpu.memory_space<vmem>>, vector<1x64xf32>
    %add3A_25 = vector.broadcast %get3A_24 : vector<1x64xf32> to vector<2000x64xf32>
    %add3A_26 = arith.addf %mul3A_21, %add3A_25 : vector<2000x64xf32>
    %gt3A = arith.constant 0.000000e+00 : f32
    %gt3A_27 = vector.broadcast %gt3A : f32 to vector<2000x64xf32>
    %gt3A_28 = arith.cmpf ogt, %add3A_26, %gt3A_27 : vector<2000x64xf32>
    %exp3A = math.exp %add3A_26 : vector<2000x64xf32>
    %sub3A = arith.constant 1.000000e+00 : f32
    %sub3A_29 = vector.broadcast %sub3A : f32 to vector<2000x64xf32>
    %sub3A_30 = arith.subf %exp3A, %sub3A_29 : vector<2000x64xf32>
    %select_n3A = arith.select %gt3A_28, %add3A_26, %sub3A_30 : vector<2000x64xi1>, vector<2000x64xf32>
    %get3A_31 = arith.constant 0 : index
    %get3A_32 = arith.constant 0 : index
    %get3A_33 = vector.load %arg6[%get3A_31, %get3A_32] : memref<64x64xf32, #tpu.memory_space<vmem>>, vector<64x64xf32>
    %dot_general3A = arith.constant dense<0.000000e+00> : vector<2000x64xf32>
    %dot_general3A_34 = tpu.matmul %select_n3A, %get3A_33, %dot_general3A {dimension_numbers = #tpu.dot_dimension_numbers<[1], [0], [0], [1], [0, 0, 1, 1], [], []>, transpose_lhs_hint = false} : vector<2000x64xf32>, vector<64x64xf32>, vector<2000x64xf32> -> vector<2000x64xf32>
    %get3A_35 = arith.constant 0 : index
    %get3A_36 = arith.constant 0 : index
    %get3A_37 = vector.load %arg7[%get3A_35, %get3A_36] : memref<1x64xf32, #tpu.memory_space<vmem>>, vector<1x64xf32>
    %add3A_38 = vector.broadcast %get3A_37 : vector<1x64xf32> to vector<2000x64xf32>
    %add3A_39 = arith.addf %dot_general3A_34, %add3A_38 : vector<2000x64xf32>
    %gt3A_40 = arith.constant 0.000000e+00 : f32
    %gt3A_41 = vector.broadcast %gt3A_40 : f32 to vector<2000x64xf32>
    %gt3A_42 = arith.cmpf ogt, %add3A_39, %gt3A_41 : vector<2000x64xf32>
    %exp3A_43 = math.exp %add3A_39 : vector<2000x64xf32>
    %sub3A_44 = arith.constant 1.000000e+00 : f32
    %sub3A_45 = vector.broadcast %sub3A_44 : f32 to vector<2000x64xf32>
    %sub3A_46 = arith.subf %exp3A_43, %sub3A_45 : vector<2000x64xf32>
    %select_n3A_47 = arith.select %gt3A_42, %add3A_39, %sub3A_46 : vector<2000x64xi1>, vector<2000x64xf32>
    %swap3A = arith.constant 0 : index
    %swap3A_48 = arith.constant 0 : index
    %swap3A_49 = vector.load %arg8[%swap3A, %swap3A_48] : memref<2000x64xf32, #tpu.memory_space<vmem>>, vector<2000x64xf32>
    tpu.vector_store %arg8[%swap3A, %swap3A_48], %select_n3A_47 {strides = array<i32>} : memref<2000x64xf32, #tpu.memory_space<vmem>>, vector<2000x64xf32>,
    return
  }
  func.func @transform_0(%arg0: i32) -> (i32, i32) {
    %c0_i32 = arith.constant 0 : i32
    %c0_i32_0 = arith.constant 0 : i32
    return %arg0, %c0_i32 : i32, i32
  }
  func.func @transform_1(%arg0: i32) -> (i32, i32, i32) {
    %c0_i32 = arith.constant 0 : i32
    %c0_i32_0 = arith.constant 0 : i32
    %c0_i32_1 = arith.constant 0 : i32
    return %c0_i32, %arg0, %c0_i32_0 : i32, i32, i32
  }
  func.func @transform_2(%arg0: i32) -> (i32, i32) {
    %c0_i32 = arith.constant 0 : i32
    %c0_i32_0 = arith.constant 0 : i32
    %c0_i32_1 = arith.constant 0 : i32
    return %c0_i32, %c0_i32_0 : i32, i32
  }
  func.func @transform_3(%arg0: i32) -> (i32, i32) {
    %c0_i32 = arith.constant 0 : i32
    %c0_i32_0 = arith.constant 0 : i32
    %c0_i32_1 = arith.constant 0 : i32
    return %c0_i32, %c0_i32_0 : i32, i32
  }
  func.func @transform_4(%arg0: i32) -> (i32, i32) {
    %c0_i32 = arith.constant 0 : i32
    %c0_i32_0 = arith.constant 0 : i32
    %c0_i32_1 = arith.constant 0 : i32
    return %c0_i32, %c0_i32_0 : i32, i32
  }
  func.func @transform_5(%arg0: i32) -> (i32, i32) {
    %c0_i32 = arith.constant 0 : i32
    %c0_i32_0 = arith.constant 0 : i32
    %c0_i32_1 = arith.constant 0 : i32
    return %c0_i32, %c0_i32_0 : i32, i32
  }
  func.func @transform_6(%arg0: i32) -> (i32, i32) {
    %c0_i32 = arith.constant 0 : i32
    %c0_i32_0 = arith.constant 0 : i32
    %c0_i32_1 = arith.constant 0 : i32
    return %c0_i32, %c0_i32_0 : i32, i32
  }
  func.func @transform_7(%arg0: i32) -> (i32, i32) {
    %c0_i32 = arith.constant 0 : i32
    %c0_i32_0 = arith.constant 0 : i32
    return %arg0, %c0_i32 : i32, i32
  }
}

module attributes {stable_mosaic.version = 14 : i64} {
  func.func @_conv2_pool_body(%arg0: i32, %arg1: memref<2000x64xf32, #tpu.memory_space<vmem>>, %arg2: memref<2x2000x64xf32, #tpu.memory_space<vmem>>, %arg3: memref<1x1x2000xi32, #tpu.memory_space<vmem>>, %arg4: memref<64x64xf32, #tpu.memory_space<vmem>>, %arg5: memref<1x64xf32, #tpu.memory_space<vmem>>, %arg6: memref<64x64xf32, #tpu.memory_space<vmem>>, %arg7: memref<1x64xf32, #tpu.memory_space<vmem>>, %arg8: memref<64x64xf32, #tpu.memory_space<vmem>>, %arg9: memref<1x64xf32, #tpu.memory_space<vmem>>, %arg10: memref<64x32xf32, #tpu.memory_space<vmem>>, %arg11: memref<1x32xf32, #tpu.memory_space<vmem>>, %arg12: memref<32x10xf32, #tpu.memory_space<vmem>>, %arg13: memref<1x10xf32, #tpu.memory_space<vmem>>, %arg14: memref<64x10xf32, #tpu.memory_space<vmem>>, %arg15: memref<64x64xf32, #tpu.memory_space<vmem>>) attributes {dimension_semantics = [#tpu.dimension_semantics<arbitrary>], iteration_bounds = array<i64: 5>, scalar_prefetch = 0 : i64, scratch_operands = 1 : i64, tpu.core_type = #tpu.core_type<tc>, window_params = [{transform_indices = @transform_0, window_bounds = array<i64: 2000, 64>}, {transform_indices = @transform_1, window_bounds = array<i64: 2, 2000, 64>}, {transform_indices = @transform_2, window_bounds = array<i64: 1, 1, 2000>}, {pipeline_mode = #tpu.pipeline_mode<synchronous>, transform_indices = @transform_3, window_bounds = array<i64: 64, 64>}, {pipeline_mode = #tpu.pipeline_mode<synchronous>, transform_indices = @transform_4, window_bounds = array<i64: 1, 64>}, {pipeline_mode = #tpu.pipeline_mode<synchronous>, transform_indices = @transform_5, window_bounds = array<i64: 64, 64>}, {pipeline_mode = #tpu.pipeline_mode<synchronous>, transform_indices = @transform_6, window_bounds = array<i64: 1, 64>}, {pipeline_mode = #tpu.pipeline_mode<synchronous>, transform_indices = @transform_7, window_bounds = array<i64: 64, 64>}, {pipeline_mode = #tpu.pipeline_mode<synchronous>, transform_indices = @transform_8, window_bounds = array<i64: 1, 64>}, {pipeline_mode = #tpu.pipeline_mode<synchronous>, transform_indices = @transform_9, window_bounds = array<i64: 64, 32>}, {pipeline_mode = #tpu.pipeline_mode<synchronous>, transform_indices = @transform_10, window_bounds = array<i64: 1, 32>}, {pipeline_mode = #tpu.pipeline_mode<synchronous>, transform_indices = @transform_11, window_bounds = array<i64: 32, 10>}, {pipeline_mode = #tpu.pipeline_mode<synchronous>, transform_indices = @transform_12, window_bounds = array<i64: 1, 10>}, {pipeline_mode = #tpu.pipeline_mode<synchronous>, transform_indices = @transform_13, window_bounds = array<i64: 64, 10>}]} {
    %get3A = arith.constant 0 : index
    %get3A_0 = arith.constant 0 : index
    %get3A_1 = vector.load %arg1[%get3A, %get3A_0] : memref<2000x64xf32, #tpu.memory_space<vmem>>, vector<2000x64xf32>
    %get3A_2 = arith.constant 0 : index
    %get3A_3 = arith.constant 0 : index
    %get3A_4 = arith.constant 0 : index
    %get3A_5 = vector.load %arg2[%get3A_2, %get3A_3, %get3A_4] : memref<2x2000x64xf32, #tpu.memory_space<vmem>>, vector<1x2000x64xf32>
    %get3A_6 = vector.shape_cast %get3A_5 : vector<1x2000x64xf32> to vector<2000x64xf32>
    %add3A = arith.addf %get3A_1, %get3A_6 : vector<2000x64xf32>
    %get3A_7 = arith.constant 1 : index
    %get3A_8 = arith.constant 0 : index
    %get3A_9 = arith.constant 0 : index
    %get3A_10 = vector.load %arg2[%get3A_7, %get3A_8, %get3A_9] : memref<2x2000x64xf32, #tpu.memory_space<vmem>>, vector<1x2000x64xf32>
    %get3A_11 = vector.shape_cast %get3A_10 : vector<1x2000x64xf32> to vector<2000x64xf32>
    %add3A_12 = arith.addf %add3A, %get3A_11 : vector<2000x64xf32>
    %get3A_13 = arith.constant 0 : index
    %get3A_14 = arith.constant 0 : index
    %get3A_15 = vector.load %arg4[%get3A_13, %get3A_14] : memref<64x64xf32, #tpu.memory_space<vmem>>, vector<64x64xf32>
    %dot_general3A = arith.constant dense<0.000000e+00> : vector<2000x64xf32>
    %dot_general3A_16 = tpu.matmul %add3A_12, %get3A_15, %dot_general3A {dimension_numbers = #tpu.dot_dimension_numbers<[1], [0], [0], [1], [0, 0, 1, 1], [], []>, transpose_lhs_hint = false} : vector<2000x64xf32>, vector<64x64xf32>, vector<2000x64xf32> -> vector<2000x64xf32>
    %get3A_17 = arith.constant 0 : index
    %get3A_18 = arith.constant 0 : index
    %get3A_19 = vector.load %arg5[%get3A_17, %get3A_18] : memref<1x64xf32, #tpu.memory_space<vmem>>, vector<1x64xf32>
    %add3A_20 = vector.broadcast %get3A_19 : vector<1x64xf32> to vector<2000x64xf32>
    %add3A_21 = arith.addf %dot_general3A_16, %add3A_20 : vector<2000x64xf32>
    %gt3A = arith.constant 0.000000e+00 : f32
    %gt3A_22 = vector.broadcast %gt3A : f32 to vector<2000x64xf32>
    %gt3A_23 = arith.cmpf ogt, %add3A_21, %gt3A_22 : vector<2000x64xf32>
    %exp3A = math.exp %add3A_21 : vector<2000x64xf32>
    %sub3A = arith.constant 1.000000e+00 : f32
    %sub3A_24 = vector.broadcast %sub3A : f32 to vector<2000x64xf32>
    %sub3A_25 = arith.subf %exp3A, %sub3A_24 : vector<2000x64xf32>
    %select_n3A = arith.select %gt3A_23, %add3A_21, %sub3A_25 : vector<2000x64xi1>, vector<2000x64xf32>
    %get3A_26 = arith.constant 0 : index
    %get3A_27 = arith.constant 0 : index
    %get3A_28 = vector.load %arg6[%get3A_26, %get3A_27] : memref<64x64xf32, #tpu.memory_space<vmem>>, vector<64x64xf32>
    %dot_general3A_29 = arith.constant dense<0.000000e+00> : vector<2000x64xf32>
    %dot_general3A_30 = tpu.matmul %select_n3A, %get3A_28, %dot_general3A_29 {dimension_numbers = #tpu.dot_dimension_numbers<[1], [0], [0], [1], [0, 0, 1, 1], [], []>, transpose_lhs_hint = false} : vector<2000x64xf32>, vector<64x64xf32>, vector<2000x64xf32> -> vector<2000x64xf32>
    %get3A_31 = arith.constant 0 : index
    %get3A_32 = arith.constant 0 : index
    %get3A_33 = vector.load %arg7[%get3A_31, %get3A_32] : memref<1x64xf32, #tpu.memory_space<vmem>>, vector<1x64xf32>
    %add3A_34 = vector.broadcast %get3A_33 : vector<1x64xf32> to vector<2000x64xf32>
    %add3A_35 = arith.addf %dot_general3A_30, %add3A_34 : vector<2000x64xf32>
    %gt3A_36 = arith.constant 0.000000e+00 : f32
    %gt3A_37 = vector.broadcast %gt3A_36 : f32 to vector<2000x64xf32>
    %gt3A_38 = arith.cmpf ogt, %add3A_35, %gt3A_37 : vector<2000x64xf32>
    %exp3A_39 = math.exp %add3A_35 : vector<2000x64xf32>
    %sub3A_40 = arith.constant 1.000000e+00 : f32
    %sub3A_41 = vector.broadcast %sub3A_40 : f32 to vector<2000x64xf32>
    %sub3A_42 = arith.subf %exp3A_39, %sub3A_41 : vector<2000x64xf32>
    %select_n3A_43 = arith.select %gt3A_38, %add3A_35, %sub3A_42 : vector<2000x64xi1>, vector<2000x64xf32>
    %get3A_44 = arith.constant 0 : index
    %get3A_45 = arith.constant 0 : index
    %get3A_46 = arith.constant 0 : index
    %get3A_47 = vector.load %arg3[%get3A_44, %get3A_45, %get3A_46] : memref<1x1x2000xi32, #tpu.memory_space<vmem>>, vector<1x1x2000xi32>
    %get3A_48 = vector.shape_cast %get3A_47 : vector<1x1x2000xi32> to vector<2000xi32>
    %iota3A = tpu.iota {dimensions = array<i32: 0>} : vector<64x2000xi32>
    %broadcast_in_dim3A = vector.shape_cast %get3A_48 : vector<2000xi32> to vector<1x2000xi32>
    %eq3A = vector.broadcast %broadcast_in_dim3A : vector<1x2000xi32> to vector<64x2000xi32>
    %eq3A_49 = arith.cmpi eq, %iota3A, %eq3A : vector<64x2000xi32>
    %convert_element_type3A = arith.extui %eq3A_49 : vector<64x2000xi1> to vector<64x2000xi32>
    %convert_element_type3A_50 = arith.sitofp %convert_element_type3A : vector<64x2000xi32> to vector<64x2000xf32>
    %dot_general3A_51 = arith.constant dense<0.000000e+00> : vector<64x64xf32>
    %dot_general3A_52 = tpu.matmul %convert_element_type3A_50, %select_n3A_43, %dot_general3A_51 {dimension_numbers = #tpu.dot_dimension_numbers<[1], [0], [0], [1], [0, 0, 1, 1], [], []>, transpose_lhs_hint = false} : vector<64x2000xf32>, vector<2000x64xf32>, vector<64x64xf32> -> vector<64x64xf32>
    %eq3A_53 = arith.constant 0 : i32
    %eq3A_54 = arith.cmpi eq, %arg0, %eq3A_53 : i32
    %convert_element_type3A_55 = arith.extui %eq3A_54 : i1 to i32
    %cond3A = arith.constant 0 : i32
    %cond3A_56 = arith.cmpi ne, %convert_element_type3A_55, %cond3A : i32
    scf.if %cond3A_56 {
      %swap3A = arith.constant 0 : index
      %swap3A_67 = arith.constant 0 : index
      %swap3A_68 = vector.load %arg15[%swap3A, %swap3A_67] : memref<64x64xf32, #tpu.memory_space<vmem>>, vector<64x64xf32>
      tpu.vector_store %arg15[%swap3A, %swap3A_67], %dot_general3A_52 {strides = array<i32>} : memref<64x64xf32, #tpu.memory_space<vmem>>, vector<64x64xf32>,
    } else {
    }
    %gt3A_57 = arith.constant 0 : i32
    %gt3A_58 = arith.cmpi sgt, %arg0, %gt3A_57 : i32
    %convert_element_type3A_59 = arith.extui %gt3A_58 : i1 to i32
    %cond3A_60 = arith.constant 0 : i32
    %cond3A_61 = arith.cmpi ne, %convert_element_type3A_59, %cond3A_60 : i32
    scf.if %cond3A_61 {
      %get3A_67 = arith.constant 0 : index
      %get3A_68 = arith.constant 0 : index
      %get3A_69 = vector.load %arg15[%get3A_67, %get3A_68] : memref<64x64xf32, #tpu.memory_space<vmem>>, vector<64x64xf32>
      %add3A_70 = arith.addf %get3A_69, %dot_general3A_52 : vector<64x64xf32>
      %swap3A = arith.constant 0 : index
      %swap3A_71 = arith.constant 0 : index
      %swap3A_72 = vector.load %arg15[%swap3A, %swap3A_71] : memref<64x64xf32, #tpu.memory_space<vmem>>, vector<64x64xf32>
      tpu.vector_store %arg15[%swap3A, %swap3A_71], %add3A_70 {strides = array<i32>} : memref<64x64xf32, #tpu.memory_space<vmem>>, vector<64x64xf32>,
    } else {
    }
    %eq3A_62 = arith.constant 4 : i32
    %eq3A_63 = arith.cmpi eq, %arg0, %eq3A_62 : i32
    %convert_element_type3A_64 = arith.extui %eq3A_63 : i1 to i32
    %cond3A_65 = arith.constant 0 : i32
    %cond3A_66 = arith.cmpi ne, %convert_element_type3A_64, %cond3A_65 : i32
    scf.if %cond3A_66 {
      %get3A_67 = arith.constant 0 : index
      %get3A_68 = arith.constant 0 : index
      %get3A_69 = vector.load %arg15[%get3A_67, %get3A_68] : memref<64x64xf32, #tpu.memory_space<vmem>>, vector<64x64xf32>
      %get3A_70 = arith.constant 0 : index
      %get3A_71 = arith.constant 0 : index
      %get3A_72 = vector.load %arg8[%get3A_70, %get3A_71] : memref<64x64xf32, #tpu.memory_space<vmem>>, vector<64x64xf32>
      %dot_general3A_73 = arith.constant dense<0.000000e+00> : vector<64x64xf32>
      %dot_general3A_74 = tpu.matmul %get3A_69, %get3A_72, %dot_general3A_73 {dimension_numbers = #tpu.dot_dimension_numbers<[1], [0], [0], [1], [0, 0, 1, 1], [], []>, transpose_lhs_hint = false} : vector<64x64xf32>, vector<64x64xf32>, vector<64x64xf32> -> vector<64x64xf32>
      %get3A_75 = arith.constant 0 : index
      %get3A_76 = arith.constant 0 : index
      %get3A_77 = vector.load %arg9[%get3A_75, %get3A_76] : memref<1x64xf32, #tpu.memory_space<vmem>>, vector<1x64xf32>
      %add3A_78 = vector.broadcast %get3A_77 : vector<1x64xf32> to vector<64x64xf32>
      %add3A_79 = arith.addf %dot_general3A_74, %add3A_78 : vector<64x64xf32>
      %gt3A_80 = arith.constant 0.000000e+00 : f32
      %gt3A_81 = vector.broadcast %gt3A_80 : f32 to vector<64x64xf32>
      %gt3A_82 = arith.cmpf ogt, %add3A_79, %gt3A_81 : vector<64x64xf32>
      %exp3A_83 = math.exp %add3A_79 : vector<64x64xf32>
      %sub3A_84 = arith.constant 1.000000e+00 : f32
      %sub3A_85 = vector.broadcast %sub3A_84 : f32 to vector<64x64xf32>
      %sub3A_86 = arith.subf %exp3A_83, %sub3A_85 : vector<64x64xf32>
      %select_n3A_87 = arith.select %gt3A_82, %add3A_79, %sub3A_86 : vector<64x64xi1>, vector<64x64xf32>
      %get3A_88 = arith.constant 0 : index
      %get3A_89 = arith.constant 0 : index
      %get3A_90 = vector.load %arg10[%get3A_88, %get3A_89] : memref<64x32xf32, #tpu.memory_space<vmem>>, vector<64x32xf32>
      %dot_general3A_91 = arith.constant dense<0.000000e+00> : vector<64x32xf32>
      %dot_general3A_92 = tpu.matmul %select_n3A_87, %get3A_90, %dot_general3A_91 {dimension_numbers = #tpu.dot_dimension_numbers<[1], [0], [0], [1], [0, 0, 1, 1], [], []>, transpose_lhs_hint = false} : vector<64x64xf32>, vector<64x32xf32>, vector<64x32xf32> -> vector<64x32xf32>
      %get3A_93 = arith.constant 0 : index
      %get3A_94 = arith.constant 0 : index
      %get3A_95 = vector.load %arg11[%get3A_93, %get3A_94] : memref<1x32xf32, #tpu.memory_space<vmem>>, vector<1x32xf32>
      %add3A_96 = vector.broadcast %get3A_95 : vector<1x32xf32> to vector<64x32xf32>
      %add3A_97 = arith.addf %dot_general3A_92, %add3A_96 : vector<64x32xf32>
      %gt3A_98 = arith.constant 0.000000e+00 : f32
      %gt3A_99 = vector.broadcast %gt3A_98 : f32 to vector<64x32xf32>
      %gt3A_100 = arith.cmpf ogt, %add3A_97, %gt3A_99 : vector<64x32xf32>
      %exp3A_101 = math.exp %add3A_97 : vector<64x32xf32>
      %sub3A_102 = arith.constant 1.000000e+00 : f32
      %sub3A_103 = vector.broadcast %sub3A_102 : f32 to vector<64x32xf32>
      %sub3A_104 = arith.subf %exp3A_101, %sub3A_103 : vector<64x32xf32>
      %select_n3A_105 = arith.select %gt3A_100, %add3A_97, %sub3A_104 : vector<64x32xi1>, vector<64x32xf32>
      %get3A_106 = arith.constant 0 : index
      %get3A_107 = arith.constant 0 : index
      %get3A_108 = vector.load %arg12[%get3A_106, %get3A_107] : memref<32x10xf32, #tpu.memory_space<vmem>>, vector<32x10xf32>
      %dot_general3A_109 = arith.constant dense<0.000000e+00> : vector<64x10xf32>
      %dot_general3A_110 = tpu.matmul %select_n3A_105, %get3A_108, %dot_general3A_109 {dimension_numbers = #tpu.dot_dimension_numbers<[1], [0], [0], [1], [0, 0, 1, 1], [], []>, transpose_lhs_hint = false} : vector<64x32xf32>, vector<32x10xf32>, vector<64x10xf32> -> vector<64x10xf32>
      %get3A_111 = arith.constant 0 : index
      %get3A_112 = arith.constant 0 : index
      %get3A_113 = vector.load %arg13[%get3A_111, %get3A_112] : memref<1x10xf32, #tpu.memory_space<vmem>>, vector<1x10xf32>
      %add3A_114 = vector.broadcast %get3A_113 : vector<1x10xf32> to vector<64x10xf32>
      %add3A_115 = arith.addf %dot_general3A_110, %add3A_114 : vector<64x10xf32>
      %reduce_max3A = arith.constant dense<0xFF800000> : vector<64xf32>
      %reduce_max3A_116 = vector.multi_reduction <maximumf>, %add3A_115, %reduce_max3A [1] : vector<64x10xf32> to vector<64xf32>
      %broadcast_in_dim3A_117 = vector.shape_cast %reduce_max3A_116 : vector<64xf32> to vector<64x1xf32>
      %sub3A_118 = vector.broadcast %broadcast_in_dim3A_117 : vector<64x1xf32> to vector<64x10xf32>
      %sub3A_119 = arith.subf %add3A_115, %sub3A_118 : vector<64x10xf32>
      %exp3A_120 = math.exp %sub3A_119 : vector<64x10xf32>
      %reduce_sum3A = arith.constant dense<0.000000e+00> : vector<64xf32>
      %reduce_sum3A_121 = vector.multi_reduction <add>, %exp3A_120, %reduce_sum3A [1] : vector<64x10xf32> to vector<64xf32>
      %broadcast_in_dim3A_122 = vector.shape_cast %reduce_sum3A_121 : vector<64xf32> to vector<64x1xf32>
      %log3A = math.log %broadcast_in_dim3A_122 : vector<64x1xf32>
      %sub3A_123 = vector.broadcast %log3A : vector<64x1xf32> to vector<64x10xf32>
      %sub3A_124 = arith.subf %sub3A_119, %sub3A_123 : vector<64x10xf32>
      %swap3A = arith.constant 0 : index
      %swap3A_125 = arith.constant 0 : index
      %swap3A_126 = vector.load %arg14[%swap3A, %swap3A_125] : memref<64x10xf32, #tpu.memory_space<vmem>>, vector<64x10xf32>
      tpu.vector_store %arg14[%swap3A, %swap3A_125], %sub3A_124 {strides = array<i32>} : memref<64x10xf32, #tpu.memory_space<vmem>>, vector<64x10xf32>,
    } else {
    }
    return
  }
  func.func @transform_0(%arg0: i32) -> (i32, i32) {
    %c0_i32 = arith.constant 0 : i32
    %c0_i32_0 = arith.constant 0 : i32
    return %arg0, %c0_i32 : i32, i32
  }
  func.func @transform_1(%arg0: i32) -> (i32, i32, i32) {
    %c0_i32 = arith.constant 0 : i32
    %c0_i32_0 = arith.constant 0 : i32
    %c0_i32_1 = arith.constant 0 : i32
    return %c0_i32, %arg0, %c0_i32_0 : i32, i32, i32
  }
  func.func @transform_2(%arg0: i32) -> (i32, i32, i32) {
    %c0_i32 = arith.constant 0 : i32
    %c0_i32_0 = arith.constant 0 : i32
    %c0_i32_1 = arith.constant 0 : i32
    return %arg0, %c0_i32, %c0_i32_0 : i32, i32, i32
  }
  func.func @transform_3(%arg0: i32) -> (i32, i32) {
    %c0_i32 = arith.constant 0 : i32
    %c0_i32_0 = arith.constant 0 : i32
    %c0_i32_1 = arith.constant 0 : i32
    return %c0_i32, %c0_i32_0 : i32, i32
  }
  func.func @transform_4(%arg0: i32) -> (i32, i32) {
    %c0_i32 = arith.constant 0 : i32
    %c0_i32_0 = arith.constant 0 : i32
    %c0_i32_1 = arith.constant 0 : i32
    return %c0_i32, %c0_i32_0 : i32, i32
  }
  func.func @transform_5(%arg0: i32) -> (i32, i32) {
    %c0_i32 = arith.constant 0 : i32
    %c0_i32_0 = arith.constant 0 : i32
    %c0_i32_1 = arith.constant 0 : i32
    return %c0_i32, %c0_i32_0 : i32, i32
  }
  func.func @transform_6(%arg0: i32) -> (i32, i32) {
    %c0_i32 = arith.constant 0 : i32
    %c0_i32_0 = arith.constant 0 : i32
    %c0_i32_1 = arith.constant 0 : i32
    return %c0_i32, %c0_i32_0 : i32, i32
  }
  func.func @transform_7(%arg0: i32) -> (i32, i32) {
    %c0_i32 = arith.constant 0 : i32
    %c0_i32_0 = arith.constant 0 : i32
    %c0_i32_1 = arith.constant 0 : i32
    return %c0_i32, %c0_i32_0 : i32, i32
  }
  func.func @transform_8(%arg0: i32) -> (i32, i32) {
    %c0_i32 = arith.constant 0 : i32
    %c0_i32_0 = arith.constant 0 : i32
    %c0_i32_1 = arith.constant 0 : i32
    return %c0_i32, %c0_i32_0 : i32, i32
  }
  func.func @transform_9(%arg0: i32) -> (i32, i32) {
    %c0_i32 = arith.constant 0 : i32
    %c0_i32_0 = arith.constant 0 : i32
    %c0_i32_1 = arith.constant 0 : i32
    return %c0_i32, %c0_i32_0 : i32, i32
  }
  func.func @transform_10(%arg0: i32) -> (i32, i32) {
    %c0_i32 = arith.constant 0 : i32
    %c0_i32_0 = arith.constant 0 : i32
    %c0_i32_1 = arith.constant 0 : i32
    return %c0_i32, %c0_i32_0 : i32, i32
  }
  func.func @transform_11(%arg0: i32) -> (i32, i32) {
    %c0_i32 = arith.constant 0 : i32
    %c0_i32_0 = arith.constant 0 : i32
    %c0_i32_1 = arith.constant 0 : i32
    return %c0_i32, %c0_i32_0 : i32, i32
  }
  func.func @transform_12(%arg0: i32) -> (i32, i32) {
    %c0_i32 = arith.constant 0 : i32
    %c0_i32_0 = arith.constant 0 : i32
    %c0_i32_1 = arith.constant 0 : i32
    return %c0_i32, %c0_i32_0 : i32, i32
  }
  func.func @transform_13(%arg0: i32) -> (i32, i32) {
    %c0_i32 = arith.constant 0 : i32
    %c0_i32_0 = arith.constant 0 : i32
    %c0_i32_1 = arith.constant 0 : i32
    return %c0_i32, %c0_i32_0 : i32, i32
  }
}

</mosaic_0001>

<sc_bundles>
// kernel: kernel.10.cloned.1.call-start
scs
__scs_entry_jumppad:
0x0: {  	(pc) =	sbr.rel $0x88, $3  }
0x1: {  	(tag) =	ssettag $0x0;
	lr =	simm.s32 $0x1  }
0x2: {  	[smem:$0x3F8E] =	sst lr;
	_ =	strace $0xD0000000  }
0x3: {  	_ = 	snop  }
0x4: {  	_ = 	snop  }
0x5: {  	_ = 	snop  }
0x6: {  	_ = 	snop  }
0x7: {  	_ = 	snop  }
__scs_overlays_trampoline_lowered:
0x8: {  	[smem:$0x3F9D] =	sst s0  }
0x9: {  	[smem:$0x3F9E] =	sst s1  }
0xa: {  	[smem:$0x3F9F] =	sst s2  }
0xb: {  	[smem:$0x3FA0] =	sst s3  }
0xc: {  	[smem:$0x3FA1] =	sst s4  }
0xd: {  	[smem:$0x3FA2] =	sst s5  }
0xe: {  	[smem:$0x3FA3] =	sst s6  }
0xf: {  	[smem:$0x3FA4] =	sst s7  }
0x10: {  	[smem:$0x3FA5] =	sst s8  }
0x11: {  	[smem:$0x3FA6] =	sst s9;
	s0 =	simm.s32 @!p0 $0x0  }
0x12: {  	s1 =	sld [smem:$0x3F8C];
	s0 =	simm.s32 @p0 $0x1  }
0x13: {  	[smem:$0x3FA7] =	sst s0;
	s0 =	simm.s32 @!p1 $0x0  }
0x14: {  	s2 =	sld [smem:$0x3F8B];
	s0 =	simm.s32 @p1 $0x1  }
0x15: {  	[smem:$0x3FA8] =	sst s0;
	s0 =	simm.s32 @!p2 $0x0  }
0x16: {  	s3 =	sld [smem:$0x3FDB];
	s0 =	simm.s32 @p2 $0x1  }
0x17: {  	s4 =	simm.s32 $0x1BF5;
	[smem:$0x3FAA] =	sst s0  }
0x18: {  	s0 =	sld [smem:$0x3F8D];
	_ =	swait.ge [sflag:s4], $0x0  }
0x19: {  	s7 =	sld [smem:$0x3F8E]  }
0x1a: {  	s8 =	sadd.s32 $0xFFFFE003, lr  }
0x1b: {  	s9 =	sadd.s32 $0xFFFFFEF7, lr;
	s5 =	simm.s32 $0xFFFFFFFF;
	p2 =	slt.u32 s8, $0xFFFFF086  }
0x1c: {  	p1 =	slt.u32 s9, $0xF7A;
	s5 =	simm.s32 @!p2 $0x0  }
0x1d: {  	s5 =	simm.s32 @p1 $0x1;
	p0 =	seq.s32 s7, s2  }
0x1e: {  	s7 =	smul.u32 @!p0 $0xF7A, s2;
	p2 =	seq.s32 @!p0 s5, $0x0  }
0x1f: {  	s9 =	smul.u32 $0xF7A, s1;
	s8 =	simm.s32 @!p0 $0x1BF5;
	p2 =	por !p2, p0  }
0x20: {  	[sflag:s8] =	ssyncset.s32 @!p0 $0xFFFFF086;
	s6 =	sadd.s32 @!p0 s3, s7;
	s7 =	simm.s32 @!p0 $0x108  }
0x21: {  	s3 =	sadd.s32 s3, s9;
	s6 =	sadd.s32 @!p0 $0x88, s6;
	s7 =	simm.s32 @p2 $0x1082  }
0x22: {  	[simem:s7], [sflag:s8] =	dma.local @!p0 [hbm:s6], $0xF7A  }
0x23: {  	s9 =	sor.u32 $0xD0000000, s2;
	s6 =	simm.s32 $0x108;
	_ =	swait.ge @!p0 [sflag:s8], $0x0  }
0x24: {  	s3 =	sadd.s32 $0x88, s3;
	s6 =	simm.s32 @!p1 $0x1082;
	[sflag:s4] =	ssyncset.s32 $0xFFFFF086  }
0x25: {  	[simem:s6], [sflag:s4] =	dma.local [hbm:s3], $0xF7A  }
0x26: {  	[smem:$0x3F8E] =	sst s1;
	(tag) =	ssettag s2;
	_ =	strace s9  }
0x27: {  	s1 =	sld [smem:$0x3F9E]  }
0x28: {  	s2 =	sld [smem:$0x3F9F]  }
0x29: {  	s4 =	sld [smem:$0x3FA1]  }
0x2a: {  	p0 =	seq.s32 s5, $0x0;
	s5 =	sld [smem:$0x3FA2]  }
0x2b: {  	s6 =	sld [smem:$0x3FA3]  }
0x2c: {  	s7 =	sld [smem:$0x3FA4]  }
0x2d: {  	s3 =	simm.s32 $0x108;
	s8 =	sld [smem:$0x3FA5]  }
0x2e: {  	s3 =	simm.s32 @!p0 $0x1082;
	s9 =	sld [smem:$0x3FA6]  }
0x2f: {  	lr =	sadd.s32 s0, s3;
	s0 =	sld [smem:$0x3F9D]  }
0x30: {  	s3 =	sld [smem:$0x3FA0]  }
0x31: {  	[smem:$0x3FA9] =	sst s10  }
0x32: {  	s10 =	sld [smem:$0x3FA7];
	_ =	sdelay $0x3  }
0x33: {  	p0 =	seq.s32 s10, $0x1;
	s10 =	sld [smem:$0x3FA9];
	_ =	sdelay $0x3  }
0x34: {  	[smem:$0x3FA9] =	sst s10  }
0x35: {  	s10 =	sld [smem:$0x3FA8];
	_ =	sdelay $0x3  }
0x36: {  	p1 =	seq.s32 s10, $0x1;
	s10 =	sld [smem:$0x3FA9];
	_ =	sdelay $0x3  }
0x37: {  	[smem:$0x3FA9] =	sst s10  }
0x38: {  	s10 =	sld [smem:$0x3FAA]  }
0x39: {  	_ = 	snop;
	(pc) =	sbr.ind lr, $3  }
0x3a: {  	_ = 	snop  }
0x3b: {  	_ = 	snop  }
0x3c: {  	p2 =	seq.s32 s10, $0x1;
	s10 =	sld [smem:$0x3FA9]  }
0x3d: {  	_ =	shalt  }
0x3e: {  	_ =	shalt  }
0x3f: {  	_ =	shalt  }
0x40: {  	_ =	shalt  }
0x41: {  	_ =	shalt  }
0x42: {  	_ =	shalt  }
0x43: {  	_ =	shalt  }
0x44: {  	_ =	shalt  }
0x45: {  	_ =	shalt  }
0x46: {  	_ =	shalt  }
0x47: {  	_ =	shalt  }
0x48: {  	_ =	shalt  }
0x49: {  	_ =	shalt  }
0x4a: {  	_ =	shalt  }
0x4b: {  	_ =	shalt  }
0x4c: {  	_ =	shalt  }
0x4d: {  	_ =	shalt  }
0x4e: {  	_ =	shalt  }
0x4f: {  	_ =	shalt  }
0x50: {  	_ =	shalt  }
0x51: {  	_ =	shalt  }
0x52: {  	_ =	shalt  }
0x53: {  	_ =	shalt  }
0x54: {  	_ =	shalt  }
0x55: {  	_ =	shalt  }
0x56: {  	_ =	shalt  }
0x57: {  	_ =	shalt  }
0x58: {  	_ =	shalt  }
0x59: {  	_ =	shalt  }
0x5a: {  	_ =	shalt  }
0x5b: {  	_ =	shalt  }
0x5c: {  	_ =	shalt  }
0x5d: {  	_ =	shalt  }
0x5e: {  	_ =	shalt  }
0x5f: {  	_ =	shalt  }
0x60: {  	_ =	shalt  }
0x61: {  	_ =	shalt  }
0x62: {  	_ =	shalt  }
0x63: {  	_ =	shalt  }
0x64: {  	_ =	shalt  }
0x65: {  	_ =	shalt  }
0x66: {  	_ =	shalt  }
0x67: {  	_ =	shalt  }
0x68: {  	_ =	shalt  }
0x69: {  	_ =	shalt  }
0x6a: {  	_ =	shalt  }
0x6b: {  	_ =	shalt  }
0x6c: {  	_ =	shalt  }
0x6d: {  	_ =	shalt  }
0x6e: {  	_ =	shalt  }
0x6f: {  	_ =	shalt  }
0x70: {  	_ =	shalt  }
0x71: {  	_ =	shalt  }
0x72: {  	_ =	shalt  }
0x73: {  	_ =	shalt  }
0x74: {  	_ =	shalt  }
0x75: {  	_ =	shalt  }
0x76: {  	_ =	shalt  }
0x77: {  	_ =	shalt  }
0x78: {  	_ =	shalt  }
0x79: {  	_ =	shalt  }
0x7a: {  	_ =	shalt  }
0x7b: {  	_ =	shalt  }
0x7c: {  	_ =	shalt  }
0x7d: {  	_ =	shalt  }
0x7e: {  	_ =	shalt  }
0x7f: {  	_ =	shalt  }
0x80: {  	_ =	shalt  }
0x81: {  	_ =	shalt  }
0x82: {  	_ =	shalt  }
0x83: {  	_ =	shalt  }
0x84: {  	_ =	shalt  }
0x85: {  	_ =	shalt  }
0x86: {  	_ =	shalt  }
0x87: {  	_ =	shalt  }
.Lfunc_end0:
.L_simem_size_0:
called_computation.1_lowered:
.L_overlay_start_0:
0x88: {  	s2 =	sld [smem:$0x3FD9]  }
0x89: {  	s3 =	sld [smem:$0x3FFE];
	_ =	sdelay $0x1  }
0x8a: {  	s1 =	srdreg.scid  }
0x8b: {  	s0 =	sand.u32 $0x1, s1  }
0x8c: {  	s16 =	sshll.u32 s0, $0xA;
	s2 =	sadd.s32 s3, s2  }
0x8d: {  	s2 =	sadd.s32 s2, s16  }
0x8e: {  	[smem:$0x3FB5] =	sst s2  }
0x8f: {  	_ = 	snop  }
0x90: {  	(tm) =	ssettm $0x1  }
0x91: {  	s17 =	sld [smem:$0x3FFB];
	_ =	sdelay $0x3  }
0x92: {  	_ =	strace s17  }
0x93: {  	s2 =	sld [smem:$0x3FFC];
	_ =	sdelay $0x3  }
0x94: {  	_ =	strace s2  }
0x95: {  	s2 =	sld [smem:$0x3FFD];
	_ =	sdelay $0x3  }
0x96: {  	_ =	strace s2  }
0x97: {  	_ =	strace $0x8FFFFFFF  }
0x98: {  	s18 =	sld [smem:$0x3FDB];
	_ =	sdelay $0x1  }
0x99: {  	s19 =	simm.s32 $_scs_section_size  }
0x9a: {  	s4 =	simm.s32 $_size__tile_overlayer_lowered;
	s5 =	simm.s32 $_tile_overlayer_lowered  }
0x9b: {  	s22 =	simm.s32 $0x1BFF;
	s21 =	sshll.u32 s5, $0x1;
	s2 =	sadd.s32 s19, s18  }
0x9c: {  	s6 =	simm.s32 $0x0;
	s20 =	sshll.u32 s4, $0x1;
	s4 =	sadd.s32 s21, s2  }
0x9d: {  	[timem:s6], [sflag:s22] =	dma.local [hbm:s4], s20  }
0x9e: {  	_ =	swait.ge [sflag:s22], s20  }
0x9f: {  	s3 =	ssub.s32 $0x0, s20;
	[sflag:s22] =	ssyncset.done $0x0  }
0xa0: {  	[sflag:s22] =	ssyncadd.s32 s3;
	_ =	sdelay $0x1  }
0xa1: {  	s23 =	simm.s32 $0x1B8B  }
0xa2: {  	_ =	swait.ge [sflag:s23], $0x1  }
0xa3: {  	[sflag:s23] =	ssyncset.done $0x0  }
0xa4: {  	s25 =	simm.s32 $0x1B8E;
	s24 =	sld [smem:$0x3FFE];
	[sflag:s23] =	ssyncadd.s32 $0xFFFFFFFF  }
0xa5: {  	s26 =	simm.s32 $execute0_lowered;
	[smem:$0x3FD2] =	sst s25  }
0xa6: {  	s4 =	sshll.u32 s26, $0x1;
	_ =	strace $0x80000049;
	[dreg:$0x1] =	wrdreg $0xFFFFFFFF  }
0xa7: {  	s28 =	simm.s32 $_size_execute0_lowered;
	s2 =	sadd.s32 s2, s4;
	[dreg:$0x0] =	wrdreg $0x0  }
0xa8: {  	s4 =	sshll.u32 s28, $0x1;
	[dreg:$0x2] =	wrdreg s2  }
0xa9: {  	[dreg:$0x3] =	wrdreg s4  }
0xaa: {  	[dreg:$0x4] =	wrdreg $0xC0  }
0xab: {  	_ =	task [dreg:s6], $0x5FFFF  }
0xac: {  	[dreg:$0x1] =	wrdreg $0xFFFFFFFF  }
0xad: {  	[dreg:$0x0] =	wrdreg $0x60  }
0xae: {  	[dreg:$0x2] =	wrdreg s24  }
0xaf: {  	[dreg:$0x3] =	wrdreg $0x62200  }
0xb0: {  	[dreg:$0x4] =	wrdreg $0x9  }
0xb1: {  	_ =	task.clear_ibuf [dreg:s6], $0x5FFFF;
	_ =	strace $0x90000049  }
0xb2: {  	s29 =	simm.s32 $0x9;
	_ =	strace $0x8000004B  }
0xb3: {  	_ =	swait.ge [sflag:s29], $0x1  }
0xb4: {  	[sflag:s29] =	ssyncadd.s32 $0xFFFFFFFF  }
0xb5: {  	_ =	strace $0x9000004B  }
0xb6: {  	_ =	sfence  }
0xb7: {  	s30 =	sld [smem:$0x0];
	_ =	sdelay $0x2  }
0xb8: {  	s31 =	sshll.u32 s1, $0xD;
	s1 =	sshrl.u32 s1, $0x2  }
0xb9: {  	s3 =	sand.u32 $0x4000, s31;
	s1 =	sadd.s32 s1, s30  }
0xba: {  	s0 =	sor.u32 s3, s0;
	s1 =	sshll.u32 s1, $0x11  }
0xbb: {  	s0 =	sor.u32 s1, s0  }
0xbc: {  	s0 =	sadd.s32 $0x8F2B, s0  }
0xbd: {  	[sflag:s0] =	ssyncadd.remote.s32 $0x1  }
0xbe: {  	_ =	sfence.sel $0xFFFF  }
0xbf: {  	[dreg:$0x0] =	wrdreg $0xFFFFFFFF;
	(pc) =	sbr.abs _section_cstart, $3  }
0xc0: {  	[dreg:$0x1] =	wrdreg $0xFFFFFFFF  }
0xc1: {  	_ =	task.clear_ibuf [dreg:s6], $0x2FFFF;
	_ =	strace $0x9FFFFFFF  }
0xc2: {  	(tm) =	ssettm $0x7FFFFFFF  }
0xc3: {  	_ =	shalt  }
tec
execute0_lowered:
.L_overlay_start_1:
0x0: {  	(tag) =	ssettag $0x1  }
0x1: {  	s1 =	srdreg.scid  }
0x2: {  	s0 =	stileid.u32;
	s6 =	rddreg [dreg:$0x0]  }
0x3: {  	s2 =	rddreg [dreg:$0x1];
	s3 =	simm.s32 $0x0;
	s14 =	simm.s32 $0x50  }
0x4: {  	s15 =	simm.s32 $0x4E20;
	s16 =	simm.s32 $0x1;
	s17 =	simm.s32 $0x0  }
0x5: {  	s5 =	sand.u32 $0x1, s1;
	s31 =	sshll.u32 s0, $0x1;
	s8 =	smul.u32 $0xA000, s0  }
0x6: {  	[smem:$0x7FF] =	sst s3;
	s4 =	sadd.s32 $0x15E00, s6;
	s12 =	sshll.u32 s0, $0x6  }
0x7: {  	s1 =	sor.u32 s5, s31;
	s9 =	smul.u32 $0xA0000, s5;
	s5 =	ssub.s32 $0x2, s5  }
0x8: {  	s12 =	sor.u32 $0x1C02, s12;
	s7 =	smul.u32 $0x4E2, s1;
	s1 =	rddreg [dreg:$0x2]  }
0x9: {  	_ =	strace $0x8000004A;
	s10 =	sshrl.u32 s8, $0x3;
	s11 =	sshrl.u32 s5, $0x1  }
0xa: {  	s13 =	sadd.s32 s8, s2;
	s9 =	sadd.s32 s8, s9;
	s10 =	sadd.s32 s10, s6  }
0xb: {  	s11 =	ssub.s32 s5, s11;
	s7 =	sadd.s32 s7, s6;
	s9 =	sshrl.u32 s9, $0x3  }
0xc: {  	s13 =	sshrl.u32 s13, $0x3;
	s9 =	sadd.s32 s9, s6;
	s5 =	sadd.s32 $0xC000, s7  }
0xd: {  	s6 =	sadd.s32 $0x2200, s7;
	s7 =	sadd.s32 $0x29800, s10;
	s10 =	simm.s32 $0x2  }
0xe: {  	s8 =	sadd.s32 $0x3D800, s9;
	s9 =	smax.u32 s11, $0x1;
	s11 =	simm.s32 $0x2710  }
.LBB2_1:
0xf: {  	[tilespmem:s3], [sflag:$0x2] =	stream.linear.gather [hbm4b:s5+s3], $0x2710, $0x38;
	[tilespmem:$0x10220] =	vst v63  }
0x10: {  	_ =	swait.ge [sflag:s10], $0x2710  }
0x11: {  	[sflag:s10] =	ssyncset.done $0x0  }
0x12: {  	[sflag:s10] =	ssyncadd.s32 $0xFFFFD8F0  }
0x13: {  	[tilespmem:s11], [sflag:$0x2] =	stream.linear.gather [hbm4b:s6+s3], $0x2710, $0x38;
	[tilespmem:$0x10220] =	vst v63  }
0x14: {  	_ =	swait.ge [sflag:s10], $0x2710  }
0x15: {  	[sflag:s10] =	ssyncset.done $0x0  }
0x16: {  	[sflag:s10] =	ssyncadd.s32 $0xFFFFD8F0  }
0x17: {  	[spmem:s13], [sflag:s12] =	dma.local [hbm:s7], $0x1400  }
0x18: {  	_ =	swait.ge [sflag:s10], $0x1400  }
0x19: {  	[sflag:s10] =	ssyncset.done $0x0  }
0x1a: {  	[sflag:s10] =	ssyncadd.s32 $0xFFFFEC00  }
0x1b: {  	s18 =	simm.s32 $0x0;
	[bflag:$0x0] =	sbarrier.arrive $0xFFFF  }
0x1c: {  	[tilespmem:s15], [sflag:$0x1] =	stream.indirect.gather [hbm4b:s4+s14], $0x40, s18, s14, $0xb8;
	[tilespmem:$0x10220] =	vst v63  }
0x1d: {  	_ =	swait.ge [sflag:s16], $0x1400  }
0x1e: {  	[sflag:s16] =	ssyncset.done $0x0  }
0x1f: {  	s31 =	simm.s32 $0x2710;
	[sflag:s16] =	ssyncadd.s32 $0xFFFFEC00  }
0x20: {  	[spmem:s2] =	stream.indirect.scatter.add.f32 [tilespmem:s15], [sflag:$0x2], $0x40, s31, s14, $0xb8;
	[tilespmem:$0x10220] =	vst v63  }
0x21: {  	_ =	swait.ge [sflag:s10], $0x1400  }
0x22: {  	s19 =	simm.s32 $0x280;
	s18 =	simm.s32 $0x140;
	[sflag:s10] =	ssyncset.done $0x0  }
.LBB2_2:
0x23: {  	s20 =	sshra.s32 s18, $0x2  }
0x24: {  	[sflag:s10] =	ssyncadd.s32 $0xFFFFEC00;
	s18 =	smov.u32 s19;
	s21 =	sadd.s32 $0x140, s19  }
0x25: {  	[tilespmem:s15], [sflag:$0x1] =	stream.indirect.gather [hbm4b:s4+s14], $0x40, s20, s14, $0xb8;
	[tilespmem:$0x10220] =	vst v63  }
0x26: {  	p0 =	sne.s32 s19, $0x9B00;
	_ =	swait.ge [sflag:s16], $0x1400  }
.Ltmp0:
0x27: {  	[sflag:s16] =	ssyncset.done $0x0;
	(pc) =	sbr.rel @p0 .LBB2_2-.Ltmp0, $4  }
0x28: {  	s19 =	sadd.s32 $0x2710, s20;
	[sflag:s16] =	ssyncadd.s32 $0xFFFFEC00  }
0x29: {  	[spmem:s2] =	stream.indirect.scatter.add.f32 [tilespmem:s15], [sflag:$0x2], $0x40, s19, s14, $0xb8;
	[tilespmem:$0x10220] =	vst v63  }
0x2a: {  	_ =	swait.ge [sflag:s10], $0x1400  }
0x2b: {  	s19 =	smov.u32 s21;
	[sflag:s10] =	ssyncset.done $0x0  }
0x2c: {  	s18 =	sshra.s32 s18, $0x2;
	[sflag:s10] =	ssyncadd.s32 $0xFFFFEC00  }
0x2d: {  	[tilespmem:s15], [sflag:$0x1] =	stream.indirect.gather [hbm4b:s4+s14], $0x40, s18, s14, $0xb8;
	[tilespmem:$0x10220] =	vst v63  }
0x2e: {  	_ =	swait.ge [sflag:s16], $0x1400  }
0x2f: {  	[sflag:s16] =	ssyncset.done $0x0  }
0x30: {  	s18 =	sadd.s32 $0x2710, s18;
	[sflag:s16] =	ssyncadd.s32 $0xFFFFEC00  }
0x31: {  	[spmem:s2] =	stream.indirect.scatter.add.f32 [tilespmem:s15], [sflag:$0x2], $0x40, s18, s14, $0xb8;
	[tilespmem:$0x10220] =	vst v63  }
0x32: {  	_ =	swait.ge [sflag:s10], $0x1400  }
0x33: {  	s17 =	sadd.s32 $0x1, s17;
	[sflag:s10] =	ssyncset.done $0x0  }
0x34: {  	p0 =	sne.s32 s17, s9;
	[sflag:s10] =	ssyncadd.s32 $0xFFFFEC00  }
.Ltmp1:
0x35: {  	[bflag:$0x0] =	sbarrier.arrive $0xFFFF;
	(pc) =	sbr.rel @p0 .LBB2_1-.Ltmp1, $4  }
0x36: {  	[hbm:s8], [sflag:s12] =	dma.local [spmem:s13], $0x1400  }
0x37: {  	_ =	swait.ge [sflag:s10], $0x1400  }
0x38: {  	[sflag:s10] =	ssyncset.done $0x0  }
0x39: {  	[sflag:s10] =	ssyncadd.s32 $0xFFFFEC00  }
0x3a: {  	_ =	sfence.sel $0x180000  }
0x3b: {  	[bflag:$0x0] =	sbarrier.arrive $0xFFFF  }
0x3c: {  	p0 =	sne.s32 s0, $0x0;
	_ =	strace $0x9000004A  }
0x3d: {  	s0 =	sadd.s32 @!p0 $0x100000, s1;
	[bflag:$0x2] =	sbarrier.arrive $0xFFFF  }
0x3e: {  	[sflag:s0] =	ssyncadd.tile.s32 @!p0 $0x1;
	_ =	shalt  }
.Lfunc_end2:
_tile_overlayer_lowered:
.L_overlay_start_2:
0x3f: {  	(tag) =	ssettag $0x2  }
0x40: {  	s0 =	rddreg [dreg:$0x0];
	s2 =	stileid.u32  }
0x41: {  	s1 =	rddreg [dreg:$0x1];
	p0 =	sne.s32 s2, $0x0  }
0x42: {  	s3 =	rddreg [dreg:$0x2];
	[bflag:$0x3] =	sbarrier.arrive $0xFFFF;
	s2 =	simm.s32 @!p0 $0x1C02  }
0x43: {  	[timem:s3], [sflag:s2] =	dma.local @!p0 [hbm:s0], s1  }
0x44: {  	s0 =	simm.s32 @!p0 $0x2  }
0x45: {  	_ =	swait.ge @!p0 [sflag:s0], s1  }
0x46: {  	s1 =	ssub.s32 @!p0 $0x0, s1;
	[sflag:s0] =	ssyncset.done @!p0 $0x0  }
0x47: {  	[sflag:s0] =	ssyncadd.s32 @!p0 s1  }
0x48: {  	[bflag:$0x3] =	sbarrier.arrive $0xFFFF  }
0x49: {  	_ =	shalt  }

// kernel: kernel.7.cloned.1.call-start
scs
__scs_entry_jumppad:
0x0: {  	(pc) =	sbr.rel $0x88, $3  }
0x1: {  	(tag) =	ssettag $0x0;
	lr =	simm.s32 $0x1  }
0x2: {  	[smem:$0x3F8E] =	sst lr;
	_ =	strace $0xD0000000  }
0x3: {  	_ = 	snop  }
0x4: {  	_ = 	snop  }
0x5: {  	_ = 	snop  }
0x6: {  	_ = 	snop  }
0x7: {  	_ = 	snop  }
__scs_overlays_trampoline_lowered:
0x8: {  	[smem:$0x3F9D] =	sst s0  }
0x9: {  	[smem:$0x3F9E] =	sst s1  }
0xa: {  	[smem:$0x3F9F] =	sst s2  }
0xb: {  	[smem:$0x3FA0] =	sst s3  }
0xc: {  	[smem:$0x3FA1] =	sst s4  }
0xd: {  	[smem:$0x3FA2] =	sst s5  }
0xe: {  	[smem:$0x3FA3] =	sst s6  }
0xf: {  	[smem:$0x3FA4] =	sst s7  }
0x10: {  	[smem:$0x3FA5] =	sst s8  }
0x11: {  	[smem:$0x3FA6] =	sst s9;
	s0 =	simm.s32 @!p0 $0x0  }
0x12: {  	s1 =	sld [smem:$0x3F8C];
	s0 =	simm.s32 @p0 $0x1  }
0x13: {  	[smem:$0x3FA7] =	sst s0;
	s0 =	simm.s32 @!p1 $0x0  }
0x14: {  	s2 =	sld [smem:$0x3F8B];
	s0 =	simm.s32 @p1 $0x1  }
0x15: {  	[smem:$0x3FA8] =	sst s0;
	s0 =	simm.s32 @!p2 $0x0  }
0x16: {  	s3 =	sld [smem:$0x3FDB];
	s0 =	simm.s32 @p2 $0x1  }
0x17: {  	s4 =	simm.s32 $0x1BF5;
	[smem:$0x3FAA] =	sst s0  }
0x18: {  	s0 =	sld [smem:$0x3F8D];
	_ =	swait.ge [sflag:s4], $0x0  }
0x19: {  	s7 =	sld [smem:$0x3F8E]  }
0x1a: {  	s8 =	sadd.s32 $0xFFFFE003, lr  }
0x1b: {  	s9 =	sadd.s32 $0xFFFFFEF7, lr;
	s5 =	simm.s32 $0xFFFFFFFF;
	p2 =	slt.u32 s8, $0xFFFFF086  }
0x1c: {  	p1 =	slt.u32 s9, $0xF7A;
	s5 =	simm.s32 @!p2 $0x0  }
0x1d: {  	s5 =	simm.s32 @p1 $0x1;
	p0 =	seq.s32 s7, s2  }
0x1e: {  	s7 =	smul.u32 @!p0 $0xF7A, s2;
	p2 =	seq.s32 @!p0 s5, $0x0  }
0x1f: {  	s9 =	smul.u32 $0xF7A, s1;
	s8 =	simm.s32 @!p0 $0x1BF5;
	p2 =	por !p2, p0  }
0x20: {  	[sflag:s8] =	ssyncset.s32 @!p0 $0xFFFFF086;
	s6 =	sadd.s32 @!p0 s3, s7;
	s7 =	simm.s32 @!p0 $0x108  }
0x21: {  	s3 =	sadd.s32 s3, s9;
	s6 =	sadd.s32 @!p0 $0x88, s6;
	s7 =	simm.s32 @p2 $0x1082  }
0x22: {  	[simem:s7], [sflag:s8] =	dma.local @!p0 [hbm:s6], $0xF7A  }
0x23: {  	s9 =	sor.u32 $0xD0000000, s2;
	s6 =	simm.s32 $0x108;
	_ =	swait.ge @!p0 [sflag:s8], $0x0  }
0x24: {  	s3 =	sadd.s32 $0x88, s3;
	s6 =	simm.s32 @!p1 $0x1082;
	[sflag:s4] =	ssyncset.s32 $0xFFFFF086  }
0x25: {  	[simem:s6], [sflag:s4] =	dma.local [hbm:s3], $0xF7A  }
0x26: {  	[smem:$0x3F8E] =	sst s1;
	(tag) =	ssettag s2;
	_ =	strace s9  }
0x27: {  	s1 =	sld [smem:$0x3F9E]  }
0x28: {  	s2 =	sld [smem:$0x3F9F]  }
0x29: {  	s4 =	sld [smem:$0x3FA1]  }
0x2a: {  	p0 =	seq.s32 s5, $0x0;
	s5 =	sld [smem:$0x3FA2]  }
0x2b: {  	s6 =	sld [smem:$0x3FA3]  }
0x2c: {  	s7 =	sld [smem:$0x3FA4]  }
0x2d: {  	s3 =	simm.s32 $0x108;
	s8 =	sld [smem:$0x3FA5]  }
0x2e: {  	s3 =	simm.s32 @!p0 $0x1082;
	s9 =	sld [smem:$0x3FA6]  }
0x2f: {  	lr =	sadd.s32 s0, s3;
	s0 =	sld [smem:$0x3F9D]  }
0x30: {  	s3 =	sld [smem:$0x3FA0]  }
0x31: {  	[smem:$0x3FA9] =	sst s10  }
0x32: {  	s10 =	sld [smem:$0x3FA7];
	_ =	sdelay $0x3  }
0x33: {  	p0 =	seq.s32 s10, $0x1;
	s10 =	sld [smem:$0x3FA9];
	_ =	sdelay $0x3  }
0x34: {  	[smem:$0x3FA9] =	sst s10  }
0x35: {  	s10 =	sld [smem:$0x3FA8];
	_ =	sdelay $0x3  }
0x36: {  	p1 =	seq.s32 s10, $0x1;
	s10 =	sld [smem:$0x3FA9];
	_ =	sdelay $0x3  }
0x37: {  	[smem:$0x3FA9] =	sst s10  }
0x38: {  	s10 =	sld [smem:$0x3FAA]  }
0x39: {  	_ = 	snop;
	(pc) =	sbr.ind lr, $3  }
0x3a: {  	_ = 	snop  }
0x3b: {  	_ = 	snop  }
0x3c: {  	p2 =	seq.s32 s10, $0x1;
	s10 =	sld [smem:$0x3FA9]  }
0x3d: {  	_ =	shalt  }
0x3e: {  	_ =	shalt  }
0x3f: {  	_ =	shalt  }
0x40: {  	_ =	shalt  }
0x41: {  	_ =	shalt  }
0x42: {  	_ =	shalt  }
0x43: {  	_ =	shalt  }
0x44: {  	_ =	shalt  }
0x45: {  	_ =	shalt  }
0x46: {  	_ =	shalt  }
0x47: {  	_ =	shalt  }
0x48: {  	_ =	shalt  }
0x49: {  	_ =	shalt  }
0x4a: {  	_ =	shalt  }
0x4b: {  	_ =	shalt  }
0x4c: {  	_ =	shalt  }
0x4d: {  	_ =	shalt  }
0x4e: {  	_ =	shalt  }
0x4f: {  	_ =	shalt  }
0x50: {  	_ =	shalt  }
0x51: {  	_ =	shalt  }
0x52: {  	_ =	shalt  }
0x53: {  	_ =	shalt  }
0x54: {  	_ =	shalt  }
0x55: {  	_ =	shalt  }
0x56: {  	_ =	shalt  }
0x57: {  	_ =	shalt  }
0x58: {  	_ =	shalt  }
0x59: {  	_ =	shalt  }
0x5a: {  	_ =	shalt  }
0x5b: {  	_ =	shalt  }
0x5c: {  	_ =	shalt  }
0x5d: {  	_ =	shalt  }
0x5e: {  	_ =	shalt  }
0x5f: {  	_ =	shalt  }
0x60: {  	_ =	shalt  }
0x61: {  	_ =	shalt  }
0x62: {  	_ =	shalt  }
0x63: {  	_ =	shalt  }
0x64: {  	_ =	shalt  }
0x65: {  	_ =	shalt  }
0x66: {  	_ =	shalt  }
0x67: {  	_ =	shalt  }
0x68: {  	_ =	shalt  }
0x69: {  	_ =	shalt  }
0x6a: {  	_ =	shalt  }
0x6b: {  	_ =	shalt  }
0x6c: {  	_ =	shalt  }
0x6d: {  	_ =	shalt  }
0x6e: {  	_ =	shalt  }
0x6f: {  	_ =	shalt  }
0x70: {  	_ =	shalt  }
0x71: {  	_ =	shalt  }
0x72: {  	_ =	shalt  }
0x73: {  	_ =	shalt  }
0x74: {  	_ =	shalt  }
0x75: {  	_ =	shalt  }
0x76: {  	_ =	shalt  }
0x77: {  	_ =	shalt  }
0x78: {  	_ =	shalt  }
0x79: {  	_ =	shalt  }
0x7a: {  	_ =	shalt  }
0x7b: {  	_ =	shalt  }
0x7c: {  	_ =	shalt  }
0x7d: {  	_ =	shalt  }
0x7e: {  	_ =	shalt  }
0x7f: {  	_ =	shalt  }
0x80: {  	_ =	shalt  }
0x81: {  	_ =	shalt  }
0x82: {  	_ =	shalt  }
0x83: {  	_ =	shalt  }
0x84: {  	_ =	shalt  }
0x85: {  	_ =	shalt  }
0x86: {  	_ =	shalt  }
0x87: {  	_ =	shalt  }
.Lfunc_end0:
.L_simem_size_0:
called_computation_lowered:
.L_overlay_start_0:
0x88: {  	s2 =	sld [smem:$0x3FD9]  }
0x89: {  	s3 =	sld [smem:$0x3FFE];
	_ =	sdelay $0x1  }
0x8a: {  	s1 =	srdreg.scid  }
0x8b: {  	s0 =	sand.u32 $0x1, s1  }
0x8c: {  	s16 =	sshll.u32 s0, $0xA;
	s2 =	sadd.s32 s3, s2  }
0x8d: {  	s2 =	sadd.s32 s2, s16  }
0x8e: {  	[smem:$0x3FB5] =	sst s2  }
0x8f: {  	_ = 	snop  }
0x90: {  	(tm) =	ssettm $0x1  }
0x91: {  	s17 =	sld [smem:$0x3FFB];
	_ =	sdelay $0x3  }
0x92: {  	_ =	strace s17  }
0x93: {  	s2 =	sld [smem:$0x3FFC];
	_ =	sdelay $0x3  }
0x94: {  	_ =	strace s2  }
0x95: {  	s2 =	sld [smem:$0x3FFD];
	_ =	sdelay $0x3  }
0x96: {  	_ =	strace s2  }
0x97: {  	_ =	strace $0x8FFFFFFF  }
0x98: {  	s18 =	sld [smem:$0x3FDB];
	_ =	sdelay $0x1  }
0x99: {  	s19 =	simm.s32 $_scs_section_size  }
0x9a: {  	s4 =	simm.s32 $_size__tile_overlayer_lowered;
	s5 =	simm.s32 $_tile_overlayer_lowered  }
0x9b: {  	s22 =	simm.s32 $0x1BFF;
	s21 =	sshll.u32 s5, $0x1;
	s2 =	sadd.s32 s19, s18  }
0x9c: {  	s6 =	simm.s32 $0x0;
	s20 =	sshll.u32 s4, $0x1;
	s4 =	sadd.s32 s21, s2  }
0x9d: {  	[timem:s6], [sflag:s22] =	dma.local [hbm:s4], s20  }
0x9e: {  	_ =	swait.ge [sflag:s22], s20  }
0x9f: {  	s3 =	ssub.s32 $0x0, s20;
	[sflag:s22] =	ssyncset.done $0x0  }
0xa0: {  	[sflag:s22] =	ssyncadd.s32 s3;
	_ =	sdelay $0x1  }
0xa1: {  	s23 =	simm.s32 $0x1B8B  }
0xa2: {  	_ =	swait.ge [sflag:s23], $0x1  }
0xa3: {  	[sflag:s23] =	ssyncset.done $0x0  }
0xa4: {  	s25 =	simm.s32 $0x1B8E;
	s24 =	sld [smem:$0x3FFE];
	[sflag:s23] =	ssyncadd.s32 $0xFFFFFFFF  }
0xa5: {  	s26 =	simm.s32 $execute0_lowered;
	[smem:$0x3FD2] =	sst s25  }
0xa6: {  	s4 =	sshll.u32 s26, $0x1;
	_ =	strace $0x80000046;
	[dreg:$0x1] =	wrdreg $0xFFFFFFFF  }
0xa7: {  	s28 =	simm.s32 $_size_execute0_lowered;
	s2 =	sadd.s32 s2, s4;
	[dreg:$0x0] =	wrdreg $0x0  }
0xa8: {  	s4 =	sshll.u32 s28, $0x1;
	[dreg:$0x2] =	wrdreg s2  }
0xa9: {  	[dreg:$0x3] =	wrdreg s4  }
0xaa: {  	[dreg:$0x4] =	wrdreg $0xC0  }
0xab: {  	_ =	task [dreg:s6], $0x5FFFF  }
0xac: {  	[dreg:$0x1] =	wrdreg $0xFFFFFFFF  }
0xad: {  	[dreg:$0x0] =	wrdreg $0x60  }
0xae: {  	[dreg:$0x2] =	wrdreg s24  }
0xaf: {  	[dreg:$0x3] =	wrdreg $0x62200  }
0xb0: {  	[dreg:$0x4] =	wrdreg $0x9  }
0xb1: {  	_ =	task.clear_ibuf [dreg:s6], $0x5FFFF;
	_ =	strace $0x90000046  }
0xb2: {  	s29 =	simm.s32 $0x9;
	_ =	strace $0x80000048  }
0xb3: {  	_ =	swait.ge [sflag:s29], $0x1  }
0xb4: {  	[sflag:s29] =	ssyncadd.s32 $0xFFFFFFFF  }
0xb5: {  	_ =	strace $0x90000048  }
0xb6: {  	_ =	sfence  }
0xb7: {  	s30 =	sld [smem:$0x0];
	_ =	sdelay $0x2  }
0xb8: {  	s31 =	sshll.u32 s1, $0xD;
	s1 =	sshrl.u32 s1, $0x2  }
0xb9: {  	s3 =	sand.u32 $0x4000, s31;
	s1 =	sadd.s32 s1, s30  }
0xba: {  	s0 =	sor.u32 s3, s0;
	s1 =	sshll.u32 s1, $0x11  }
0xbb: {  	s0 =	sor.u32 s1, s0  }
0xbc: {  	s0 =	sadd.s32 $0x8F2B, s0  }
0xbd: {  	[sflag:s0] =	ssyncadd.remote.s32 $0x1  }
0xbe: {  	_ =	sfence.sel $0xFFFF  }
0xbf: {  	[dreg:$0x0] =	wrdreg $0xFFFFFFFF;
	(pc) =	sbr.abs _section_cstart, $3  }
0xc0: {  	[dreg:$0x1] =	wrdreg $0xFFFFFFFF  }
0xc1: {  	_ =	task.clear_ibuf [dreg:s6], $0x2FFFF;
	_ =	strace $0x9FFFFFFF  }
0xc2: {  	(tm) =	ssettm $0x7FFFFFFF  }
0xc3: {  	_ =	shalt  }
tec
execute0_lowered:
.L_overlay_start_1:
0x0: {  	(tag) =	ssettag $0x1  }
0x1: {  	s1 =	srdreg.scid  }
0x2: {  	s0 =	stileid.u32;
	s6 =	rddreg [dreg:$0x0]  }
0x3: {  	s2 =	rddreg [dreg:$0x1];
	s3 =	simm.s32 $0x0;
	s14 =	simm.s32 $0x50  }
0x4: {  	s15 =	simm.s32 $0x4E20;
	s16 =	simm.s32 $0x1;
	s17 =	simm.s32 $0x0  }
0x5: {  	s5 =	sand.u32 $0x1, s1;
	s31 =	sshll.u32 s0, $0x1;
	s8 =	smul.u32 $0xA000, s0  }
0x6: {  	[smem:$0x7FF] =	sst s3;
	s4 =	sadd.s32 $0x15E00, s6;
	s12 =	sshll.u32 s0, $0x6  }
0x7: {  	s1 =	sor.u32 s5, s31;
	s9 =	smul.u32 $0xA0000, s5;
	s5 =	ssub.s32 $0x2, s5  }
0x8: {  	s12 =	sor.u32 $0x1C02, s12;
	s7 =	smul.u32 $0x4E2, s1;
	s1 =	rddreg [dreg:$0x2]  }
0x9: {  	_ =	strace $0x80000047;
	s10 =	sshrl.u32 s8, $0x3;
	s11 =	sshrl.u32 s5, $0x1  }
0xa: {  	s13 =	sadd.s32 s8, s2;
	s9 =	sadd.s32 s8, s9;
	s10 =	sadd.s32 s10, s6  }
0xb: {  	s11 =	ssub.s32 s5, s11;
	s7 =	sadd.s32 s7, s6;
	s9 =	sshrl.u32 s9, $0x3  }
0xc: {  	s13 =	sshrl.u32 s13, $0x3;
	s9 =	sadd.s32 s9, s6;
	s5 =	sadd.s32 $0xC000, s7  }
0xd: {  	s6 =	sadd.s32 $0x2200, s7;
	s7 =	sadd.s32 $0x29800, s10;
	s10 =	simm.s32 $0x2  }
0xe: {  	s8 =	sadd.s32 $0x3D800, s9;
	s9 =	smax.u32 s11, $0x1;
	s11 =	simm.s32 $0x2710  }
.LBB2_1:
0xf: {  	[tilespmem:s3], [sflag:$0x2] =	stream.linear.gather [hbm4b:s5+s3], $0x2710, $0x38;
	[tilespmem:$0x10220] =	vst v63  }
0x10: {  	_ =	swait.ge [sflag:s10], $0x2710  }
0x11: {  	[sflag:s10] =	ssyncset.done $0x0  }
0x12: {  	[sflag:s10] =	ssyncadd.s32 $0xFFFFD8F0  }
0x13: {  	[tilespmem:s11], [sflag:$0x2] =	stream.linear.gather [hbm4b:s6+s3], $0x2710, $0x38;
	[tilespmem:$0x10220] =	vst v63  }
0x14: {  	_ =	swait.ge [sflag:s10], $0x2710  }
0x15: {  	[sflag:s10] =	ssyncset.done $0x0  }
0x16: {  	[sflag:s10] =	ssyncadd.s32 $0xFFFFD8F0  }
0x17: {  	[spmem:s13], [sflag:s12] =	dma.local [hbm:s7], $0x1400  }
0x18: {  	_ =	swait.ge [sflag:s10], $0x1400  }
0x19: {  	[sflag:s10] =	ssyncset.done $0x0  }
0x1a: {  	[sflag:s10] =	ssyncadd.s32 $0xFFFFEC00  }
0x1b: {  	s18 =	simm.s32 $0x0;
	[bflag:$0x0] =	sbarrier.arrive $0xFFFF  }
0x1c: {  	[tilespmem:s15], [sflag:$0x1] =	stream.indirect.gather [hbm4b:s4+s14], $0x40, s18, s14, $0xb8;
	[tilespmem:$0x10220] =	vst v63  }
0x1d: {  	_ =	swait.ge [sflag:s16], $0x1400  }
0x1e: {  	[sflag:s16] =	ssyncset.done $0x0  }
0x1f: {  	s31 =	simm.s32 $0x2710;
	[sflag:s16] =	ssyncadd.s32 $0xFFFFEC00  }
0x20: {  	[spmem:s2] =	stream.indirect.scatter.add.f32 [tilespmem:s15], [sflag:$0x2], $0x40, s31, s14, $0xb8;
	[tilespmem:$0x10220] =	vst v63  }
0x21: {  	_ =	swait.ge [sflag:s10], $0x1400  }
0x22: {  	s19 =	simm.s32 $0x280;
	s18 =	simm.s32 $0x140;
	[sflag:s10] =	ssyncset.done $0x0  }
.LBB2_2:
0x23: {  	s20 =	sshra.s32 s18, $0x2  }
0x24: {  	[sflag:s10] =	ssyncadd.s32 $0xFFFFEC00;
	s18 =	smov.u32 s19;
	s21 =	sadd.s32 $0x140, s19  }
0x25: {  	[tilespmem:s15], [sflag:$0x1] =	stream.indirect.gather [hbm4b:s4+s14], $0x40, s20, s14, $0xb8;
	[tilespmem:$0x10220] =	vst v63  }
0x26: {  	p0 =	sne.s32 s19, $0x9B00;
	_ =	swait.ge [sflag:s16], $0x1400  }
.Ltmp0:
0x27: {  	[sflag:s16] =	ssyncset.done $0x0;
	(pc) =	sbr.rel @p0 .LBB2_2-.Ltmp0, $4  }
0x28: {  	s19 =	sadd.s32 $0x2710, s20;
	[sflag:s16] =	ssyncadd.s32 $0xFFFFEC00  }
0x29: {  	[spmem:s2] =	stream.indirect.scatter.add.f32 [tilespmem:s15], [sflag:$0x2], $0x40, s19, s14, $0xb8;
	[tilespmem:$0x10220] =	vst v63  }
0x2a: {  	_ =	swait.ge [sflag:s10], $0x1400  }
0x2b: {  	s19 =	smov.u32 s21;
	[sflag:s10] =	ssyncset.done $0x0  }
0x2c: {  	s18 =	sshra.s32 s18, $0x2;
	[sflag:s10] =	ssyncadd.s32 $0xFFFFEC00  }
0x2d: {  	[tilespmem:s15], [sflag:$0x1] =	stream.indirect.gather [hbm4b:s4+s14], $0x40, s18, s14, $0xb8;
	[tilespmem:$0x10220] =	vst v63  }
0x2e: {  	_ =	swait.ge [sflag:s16], $0x1400  }
0x2f: {  	[sflag:s16] =	ssyncset.done $0x0  }
0x30: {  	s18 =	sadd.s32 $0x2710, s18;
	[sflag:s16] =	ssyncadd.s32 $0xFFFFEC00  }
0x31: {  	[spmem:s2] =	stream.indirect.scatter.add.f32 [tilespmem:s15], [sflag:$0x2], $0x40, s18, s14, $0xb8;
	[tilespmem:$0x10220] =	vst v63  }
0x32: {  	_ =	swait.ge [sflag:s10], $0x1400  }
0x33: {  	s17 =	sadd.s32 $0x1, s17;
	[sflag:s10] =	ssyncset.done $0x0  }
0x34: {  	p0 =	sne.s32 s17, s9;
	[sflag:s10] =	ssyncadd.s32 $0xFFFFEC00  }
.Ltmp1:
0x35: {  	[bflag:$0x0] =	sbarrier.arrive $0xFFFF;
	(pc) =	sbr.rel @p0 .LBB2_1-.Ltmp1, $4  }
0x36: {  	[hbm:s8], [sflag:s12] =	dma.local [spmem:s13], $0x1400  }
0x37: {  	_ =	swait.ge [sflag:s10], $0x1400  }
0x38: {  	[sflag:s10] =	ssyncset.done $0x0  }
0x39: {  	[sflag:s10] =	ssyncadd.s32 $0xFFFFEC00  }
0x3a: {  	_ =	sfence.sel $0x180000  }
0x3b: {  	[bflag:$0x0] =	sbarrier.arrive $0xFFFF  }
0x3c: {  	p0 =	sne.s32 s0, $0x0;
	_ =	strace $0x90000047  }
0x3d: {  	s0 =	sadd.s32 @!p0 $0x100000, s1;
	[bflag:$0x2] =	sbarrier.arrive $0xFFFF  }
0x3e: {  	[sflag:s0] =	ssyncadd.tile.s32 @!p0 $0x1;
	_ =	shalt  }
.Lfunc_end2:
_tile_overlayer_lowered:
.L_overlay_start_2:
0x3f: {  	(tag) =	ssettag $0x2  }
0x40: {  	s0 =	rddreg [dreg:$0x0];
	s2 =	stileid.u32  }
0x41: {  	s1 =	rddreg [dreg:$0x1];
	p0 =	sne.s32 s2, $0x0  }
0x42: {  	s3 =	rddreg [dreg:$0x2];
	[bflag:$0x3] =	sbarrier.arrive $0xFFFF;
	s2 =	simm.s32 @!p0 $0x1C02  }
0x43: {  	[timem:s3], [sflag:s2] =	dma.local @!p0 [hbm:s0], s1  }
0x44: {  	s0 =	simm.s32 @!p0 $0x2  }
0x45: {  	_ =	swait.ge @!p0 [sflag:s0], s1  }
0x46: {  	s1 =	ssub.s32 @!p0 $0x0, s1;
	[sflag:s0] =	ssyncset.done @!p0 $0x0  }
0x47: {  	[sflag:s0] =	ssyncadd.s32 @!p0 s1  }
0x48: {  	[bflag:$0x3] =	sbarrier.arrive $0xFFFF  }
0x49: {  	_ =	shalt  }

</sc_bundles>
